<compile_context>
chip_gen: v7x
topology: tpu7x:2x2x1
jax: 0.10.2.dev20260603
libtpu: 0.0.44.dev20260713+nightly
codegen_flags: <defaults>
</compile_context>

<pallas_src>
import jax
import jax.numpy as jnp
from jax import lax
from jax.experimental import pallas as pl
from jax.experimental.pallas import tpu as pltpu
from jax.experimental.pallas import tpu_sc as plsc

M = 400000
C = 128
R = 128
NUM_CHUNKS = M // R
NC = 2
NS = 16
NW = NC * NS
ITERS = -(-NUM_CHUNKS // NW)
NBUF = 6
LEAD = 2


def _sc_body(x_hbm, up_hbm, idxp_hbm, out_hbm, idx_v, up_v, lsem, gsem, ssem):
    wid = lax.axis_index("s") * NC + lax.axis_index("c")
    c0 = ITERS * wid
    ni = jnp.minimum(ITERS, NUM_CHUNKS - c0)

    pltpu.sync_copy(idxp_hbm.at[wid], idx_v)

    def base_of(k):
        return (c0 + k) * R

    def ldesc(k, b):
        return pltpu.make_async_copy(up_hbm.at[pl.ds(base_of(k), R)],
                                     up_v.at[b], lsem.at[b])

    def gdesc(k, b):
        return pltpu.make_async_copy(x_hbm.at[idx_v.at[k]], up_v.at[b],
                                     gsem.at[b])

    def sdesc(k, b):
        return pltpu.make_async_copy(up_v.at[b],
                                     out_hbm.at[pl.ds(base_of(k), R)],
                                     ssem.at[b])

    for k in range(LEAD):
        @pl.when(k < ni)
        def _():
            ldesc(k, k).start()

    def step(j, carry):
        for b in range(NBUF):
            i = j * NBUF + b

            sb = (b - LEAD) % NBUF

            @pl.when((i - LEAD >= 0) & (i - LEAD < ni))
            def _():
                gdesc(i - LEAD, sb).wait()
                sdesc(i - LEAD, sb).start()

            lb = (b + LEAD) % NBUF

            @pl.when(i + LEAD < ni)
            def _():
                @pl.when(i + LEAD - NBUF >= 0)
                def _():
                    sdesc(i + LEAD - NBUF, lb).wait()
                ldesc(i + LEAD, lb).start()

            @pl.when(i < ni)
            def _():
                ldesc(i, b).wait()
                gdesc(i, b).start(add=True)
        return carry

    lax.fori_loop(0, (ITERS + LEAD + NBUF) // NBUF, step, 0)

    for s in range(NBUF):
        sdesc(0, s).wait()


def kernel(x_features, up_x_features, unq_inv):
    idx = unq_inv.astype(jnp.int32)
    pad = (NW * ITERS * R) - M
    idxp = jnp.concatenate([idx, jnp.zeros((pad,), jnp.int32)])
    idxp = idxp.reshape(NW, ITERS, R)
    mesh = plsc.VectorSubcoreMesh(
        core_axis_name="c", subcore_axis_name="s",
        num_cores=NC, num_subcores=NS)
    f = pl.kernel(
        _sc_body,
        out_type=jax.ShapeDtypeStruct((M, C), jnp.float32),
        mesh=mesh,
        scratch_types=[
            pltpu.VMEM((ITERS, R), jnp.int32),
            pltpu.VMEM((NBUF, R, C), jnp.float32),
            pltpu.SemaphoreType.DMA((NBUF,)),
            pltpu.SemaphoreType.DMA((NBUF,)),
            pltpu.SemaphoreType.DMA((NBUF,)),
        ],
    )
    return f(x_features, up_x_features, idxp)

# --- scband reference (transcript-rebuilt; emitter-appended) ---
"""Pipeline reference for scband-patch-expanding3-d-214748365272 (READ-ONLY COPY).

The authoritative reference and input builder live on the scoring server;
editing this copy changes nothing except your own understanding.
"""

import jax, jax.numpy as jnp
import numpy as np


def setup_inputs(seed: int = 0) -> dict:
    key = jax.random.key(seed)
    k1, k2, k3 = jax.random.split(key, 3)
    n, c = 50000, 128
    m = 400000
    x_features = jax.random.normal(k1, (n, c), dtype=jnp.float32)
    up_x_features = jax.random.normal(k2, (m, c), dtype=jnp.float32)
    unq_inv = jax.random.randint(k3, (m,), 0, n, dtype=jnp.int64)
    return {"x_features": x_features, "up_x_features": up_x_features, "unq_inv": unq_inv}


def reference(x_features, up_x_features, unq_inv):
    # torch.gather(x.features, 0, unq_inv.unsqueeze(1).repeat(1, c)) is a row gather
    x_copy = jnp.take(x_features, unq_inv, axis=0)
    # up_x.replace_feature(up_x.features + x_copy)
    return up_x_features + x_copy

if __name__ == "__main__":
    import jax
    _d = setup_inputs()
    print(jax.jit(kernel)(*tuple(_d.values())))

</pallas_src>

<mosaic_0001>
#map = affine_map<(d0, d1) -> (0, 0)>
#map1 = affine_map<(d0, d1) -> (0, 0, 0)>
module attributes {stable_mosaic.version = 14 : i64} {
  func.func @_sc_body(%arg0: i32, %arg1: i32, %arg2: memref<50000x128xf32, #tpu.memory_space<hbm>>, %arg3: memref<400000x128xf32, #tpu.memory_space<hbm>>, %arg4: memref<32x98x128xi32, #tpu.memory_space<hbm>>, %arg5: memref<400000x128xf32, #tpu.memory_space<hbm>>, %arg6: memref<98x128xi32, #tpu.memory_space<vmem>>, %arg7: memref<6x128x128xf32, #tpu.memory_space<vmem>>, %arg8: memref<6x!tpu.dma_semaphore, #tpu.memory_space<semaphore_mem>>, %arg9: memref<6x!tpu.dma_semaphore, #tpu.memory_space<semaphore_mem>>, %arg10: memref<6x!tpu.dma_semaphore, #tpu.memory_space<semaphore_mem>>) attributes {dimension_semantics = [#tpu.dimension_semantics<core_parallel>, #tpu.dimension_semantics<subcore_parallel>], iteration_bounds = array<i64: 2, 16>, scalar_prefetch = 0 : i64, scratch_operands = 5 : i64, tpu.core_type = #tpu.core_type<sc_vector_subcore>, window_params = [{transform_indices = #map}, {transform_indices = #map}, {transform_indices = #map1}, {transform_indices = #map}]} {
    %mul3A = arith.constant 2 : i32
    %mul3A_0 = arith.muli %arg1, %mul3A : i32
    %add3A = arith.addi %mul3A_0, %arg0 : i32
    %mul3A_1 = arith.constant 98 : i32
    %mul3A_2 = arith.muli %mul3A_1, %add3A : i32
    %sub3A = arith.constant 3125 : i32
    %sub3A_3 = arith.subi %sub3A, %mul3A_2 : i32
    %min3A = arith.constant 98 : i32
    %min3A_4 = arith.minsi %min3A, %sub3A_3 : i32
    "tpu.region"() ({
      %run_scoped3A = tpu.sem_alloc : memref<!tpu.dma_semaphore, #tpu.memory_space<semaphore_mem>>
      %dma_start3A = arith.constant 0 : i32
      %dma_start3A_136 = arith.constant 0 : i32
      %dma_start3A_137 = tpu.memref_slice %arg4[%add3A, %dma_start3A, %dma_start3A_136] : memref<32x98x128xi32, #tpu.memory_space<hbm>> -> memref<1x98x128xi32, #tpu.memory_space<hbm>>
      %dma_start3A_138 = tpu.memref_squeeze %dma_start3A_137 : memref<1x98x128xi32, #tpu.memory_space<hbm>> -> memref<98x128xi32, #tpu.memory_space<hbm>>
      %dma_start3A_139 = arith.constant 0 : i32
      %dma_start3A_140 = arith.constant 0 : i32
      %dma_start3A_141 = tpu.memref_slice %arg4[%add3A, %dma_start3A_139, %dma_start3A_140] : memref<32x98x128xi32, #tpu.memory_space<hbm>> -> memref<1x98x128xi32, #tpu.memory_space<hbm>>
      %dma_start3A_142 = tpu.memref_squeeze %dma_start3A_141 : memref<1x98x128xi32, #tpu.memory_space<hbm>> -> memref<98x128xi32, #tpu.memory_space<hbm>>
      tpu.enqueue_dma source(%dma_start3A_142 : memref<98x128xi32, #tpu.memory_space<hbm>>) target(%arg6 : memref<98x128xi32, #tpu.memory_space<vmem>>) target_semaphore(%run_scoped3A : memref<!tpu.dma_semaphore, #tpu.memory_space<semaphore_mem>>)
      %dma_wait3A_143 = arith.constant 0 : i32
      %dma_wait3A_144 = arith.constant 0 : i32
      %dma_wait3A_145 = tpu.memref_slice %arg4[%add3A, %dma_wait3A_143, %dma_wait3A_144] : memref<32x98x128xi32, #tpu.memory_space<hbm>> -> memref<1x98x128xi32, #tpu.memory_space<hbm>>
      %dma_wait3A_146 = tpu.memref_squeeze %dma_wait3A_145 : memref<1x98x128xi32, #tpu.memory_space<hbm>> -> memref<98x128xi32, #tpu.memory_space<hbm>>
      %dma_wait3A_147 = arith.constant 0 : i32
      %dma_wait3A_148 = arith.constant 0 : i32
      %dma_wait3A_149 = tpu.memref_slice %arg4[%add3A, %dma_wait3A_147, %dma_wait3A_148] : memref<32x98x128xi32, #tpu.memory_space<hbm>> -> memref<1x98x128xi32, #tpu.memory_space<hbm>>
      %dma_wait3A_150 = tpu.memref_squeeze %dma_wait3A_149 : memref<1x98x128xi32, #tpu.memory_space<hbm>> -> memref<98x128xi32, #tpu.memory_space<hbm>>
      tpu.wait_dma2 semaphore(%run_scoped3A : memref<!tpu.dma_semaphore, #tpu.memory_space<semaphore_mem>>) src(%dma_wait3A_150 : memref<98x128xi32, #tpu.memory_space<hbm>>) dst(%arg6 : memref<98x128xi32, #tpu.memory_space<vmem>>)
      tpu.yield
    }) : () -> ()
    %gt3A = arith.constant 0 : i32
    %gt3A_5 = arith.cmpi sgt, %min3A_4, %gt3A : i32
    %convert_element_type3A = arith.extui %gt3A_5 : i1 to i32
    %cond3A = arith.constant 0 : i32
    %cond3A_6 = arith.cmpi ne, %convert_element_type3A, %cond3A : i32
    scf.if %cond3A_6 {
      %add3A_136 = arith.constant 0 : i32
      %add3A_137 = arith.addi %mul3A_2, %add3A_136 : i32
      %mul3A_138 = arith.constant 128 : i32
      %mul3A_139 = arith.muli %add3A_137, %mul3A_138 : i32
      %dma_start3A = arith.constant 0 : i32
      %dma_start3A_140 = arith.constant 0 : i32
      %dma_start3A_141 = arith.constant 0 : i32
      %dma_start3A_142 = arith.constant 0 : i32
      %dma_start3A_143 = tpu.memref_slice %arg7[%dma_start3A, %dma_start3A_141, %dma_start3A_142] : memref<6x128x128xf32, #tpu.memory_space<vmem>> -> memref<1x128x128xf32, #tpu.memory_space<vmem>>
      %dma_start3A_144 = tpu.memref_squeeze %dma_start3A_143 : memref<1x128x128xf32, #tpu.memory_space<vmem>> -> memref<128x128xf32, #tpu.memory_space<vmem>>
      %dma_start3A_145 = arith.constant 0 : i32
      %dma_start3A_146 = tpu.memref_slice %arg3[%mul3A_139, %dma_start3A_145] : memref<400000x128xf32, #tpu.memory_space<hbm>> -> memref<128x128xf32, #tpu.memory_space<hbm>>
      %dma_start3A_147 = tpu.memref_slice %arg8[%dma_start3A_140] : memref<6x!tpu.dma_semaphore, #tpu.memory_space<semaphore_mem>> -> memref<1x!tpu.dma_semaphore, #tpu.memory_space<semaphore_mem>>
      %dma_start3A_148 = tpu.memref_squeeze %dma_start3A_147 : memref<1x!tpu.dma_semaphore, #tpu.memory_space<semaphore_mem>> -> memref<!tpu.dma_semaphore, #tpu.memory_space<semaphore_mem>>
      %dma_start3A_149 = arith.constant 0 : i32
      %dma_start3A_150 = arith.constant 0 : i32
      %dma_start3A_151 = tpu.memref_slice %arg7[%dma_start3A, %dma_start3A_149, %dma_start3A_150] : memref<6x128x128xf32, #tpu.memory_space<vmem>> -> memref<1x128x128xf32, #tpu.memory_space<vmem>>
      %dma_start3A_152 = tpu.memref_squeeze %dma_start3A_151 : memref<1x128x128xf32, #tpu.memory_space<vmem>> -> memref<128x128xf32, #tpu.memory_space<vmem>>
      %dma_start3A_153 = arith.constant 0 : i32
      %dma_start3A_154 = tpu.memref_slice %arg3[%mul3A_139, %dma_start3A_153] : memref<400000x128xf32, #tpu.memory_space<hbm>> -> memref<128x128xf32, #tpu.memory_space<hbm>>
      tpu.enqueue_dma source(%dma_start3A_154 : memref<128x128xf32, #tpu.memory_space<hbm>>) target(%dma_start3A_152 : memref<128x128xf32, #tpu.memory_space<vmem>>) target_semaphore(%dma_start3A_148 : memref<!tpu.dma_semaphore, #tpu.memory_space<semaphore_mem>>)
    } else {
    }
    %gt3A_7 = arith.constant 1 : i32
    %gt3A_8 = arith.cmpi sgt, %min3A_4, %gt3A_7 : i32
    %convert_element_type3A_9 = arith.extui %gt3A_8 : i1 to i32
    %cond3A_10 = arith.constant 0 : i32
    %cond3A_11 = arith.cmpi ne, %convert_element_type3A_9, %cond3A_10 : i32
    scf.if %cond3A_11 {
      %add3A_136 = arith.constant 1 : i32
      %add3A_137 = arith.addi %mul3A_2, %add3A_136 : i32
      %mul3A_138 = arith.constant 128 : i32
      %mul3A_139 = arith.muli %add3A_137, %mul3A_138 : i32
      %dma_start3A = arith.constant 1 : i32
      %dma_start3A_140 = arith.constant 1 : i32
      %dma_start3A_141 = arith.constant 0 : i32
      %dma_start3A_142 = arith.constant 0 : i32
      %dma_start3A_143 = tpu.memref_slice %arg7[%dma_start3A, %dma_start3A_141, %dma_start3A_142] : memref<6x128x128xf32, #tpu.memory_space<vmem>> -> memref<1x128x128xf32, #tpu.memory_space<vmem>>
      %dma_start3A_144 = tpu.memref_squeeze %dma_start3A_143 : memref<1x128x128xf32, #tpu.memory_space<vmem>> -> memref<128x128xf32, #tpu.memory_space<vmem>>
      %dma_start3A_145 = arith.constant 0 : i32
      %dma_start3A_146 = tpu.memref_slice %arg3[%mul3A_139, %dma_start3A_145] : memref<400000x128xf32, #tpu.memory_space<hbm>> -> memref<128x128xf32, #tpu.memory_space<hbm>>
      %dma_start3A_147 = tpu.memref_slice %arg8[%dma_start3A_140] : memref<6x!tpu.dma_semaphore, #tpu.memory_space<semaphore_mem>> -> memref<1x!tpu.dma_semaphore, #tpu.memory_space<semaphore_mem>>
      %dma_start3A_148 = tpu.memref_squeeze %dma_start3A_147 : memref<1x!tpu.dma_semaphore, #tpu.memory_space<semaphore_mem>> -> memref<!tpu.dma_semaphore, #tpu.memory_space<semaphore_mem>>
      %dma_start3A_149 = arith.constant 0 : i32
      %dma_start3A_150 = arith.constant 0 : i32
      %dma_start3A_151 = tpu.memref_slice %arg7[%dma_start3A, %dma_start3A_149, %dma_start3A_150] : memref<6x128x128xf32, #tpu.memory_space<vmem>> -> memref<1x128x128xf32, #tpu.memory_space<vmem>>
      %dma_start3A_152 = tpu.memref_squeeze %dma_start3A_151 : memref<1x128x128xf32, #tpu.memory_space<vmem>> -> memref<128x128xf32, #tpu.memory_space<vmem>>
      %dma_start3A_153 = arith.constant 0 : i32
      %dma_start3A_154 = tpu.memref_slice %arg3[%mul3A_139, %dma_start3A_153] : memref<400000x128xf32, #tpu.memory_space<hbm>> -> memref<128x128xf32, #tpu.memory_space<hbm>>
      tpu.enqueue_dma source(%dma_start3A_154 : memref<128x128xf32, #tpu.memory_space<hbm>>) target(%dma_start3A_152 : memref<128x128xf32, #tpu.memory_space<vmem>>) target_semaphore(%dma_start3A_148 : memref<!tpu.dma_semaphore, #tpu.memory_space<semaphore_mem>>)
    } else {
    }
    %scan3A = arith.constant 0 : i32
    %scan3A_12 = arith.constant 0 : i32
    %scan3A_13 = arith.constant 17 : i32
    %scan3A_14 = arith.addi %scan3A_12, %scan3A_13 : i32
    %scan3A_15 = arith.constant 1 : i32
    scf.for %scan3A_136 = %scan3A_12 to %scan3A_14 step %scan3A_15  : i32 {
      %mul3A_137 = arith.constant 6 : i32
      %mul3A_138 = arith.muli %scan3A_136, %mul3A_137 : i32
      %add3A_139 = arith.constant 0 : i32
      %add3A_140 = arith.addi %mul3A_138, %add3A_139 : i32
      %sub3A_141 = arith.constant 2 : i32
      %sub3A_142 = arith.subi %add3A_140, %sub3A_141 : i32
      %ge3A = arith.constant 0 : i32
      %ge3A_143 = arith.cmpi sge, %sub3A_142, %ge3A : i32
      %sub3A_144 = arith.constant 2 : i32
      %sub3A_145 = arith.subi %add3A_140, %sub3A_144 : i32
      %lt3A = arith.cmpi slt, %sub3A_145, %min3A_4 : i32
      %and3A = arith.andi %ge3A_143, %lt3A : i1
      %convert_element_type3A_146 = arith.extui %and3A : i1 to i32
      %cond3A_147 = arith.constant 0 : i32
      %cond3A_148 = arith.cmpi ne, %convert_element_type3A_146, %cond3A_147 : i32
      scf.if %cond3A_148 {
        %sub3A_284 = arith.constant 2 : i32
        %sub3A_285 = arith.subi %add3A_140, %sub3A_284 : i32
        %dma_wait3A_286 = arith.constant 4 : i32
        %dma_wait3A_287 = arith.constant 4 : i32
        %dma_wait3A_288 = arith.constant 0 : i32
        %dma_wait3A_289 = arith.constant 0 : i32
        %dma_wait3A_290 = tpu.memref_slice %arg7[%dma_wait3A_286, %dma_wait3A_288, %dma_wait3A_289] : memref<6x128x128xf32, #tpu.memory_space<vmem>> -> memref<1x128x128xf32, #tpu.memory_space<vmem>>
        %dma_wait3A_291 = tpu.memref_squeeze %dma_wait3A_290 : memref<1x128x128xf32, #tpu.memory_space<vmem>> -> memref<128x128xf32, #tpu.memory_space<vmem>>
        %dma_wait3A_292 = arith.constant 0 : i32
        %dma_wait3A_293 = tpu.memref_slice %arg6[%sub3A_285, %dma_wait3A_292] : memref<98x128xi32, #tpu.memory_space<vmem>> -> memref<1x128xi32, #tpu.memory_space<vmem>>
        %dma_wait3A_294 = tpu.memref_squeeze %dma_wait3A_293 : memref<1x128xi32, #tpu.memory_space<vmem>> -> memref<128xi32, #tpu.memory_space<vmem>>
        %dma_wait3A_295 = arith.constant 0 : i32
        %dma_wait3A_296 = arith.constant 0 : i32
        %dma_wait3A_297 = tpu.memref_slice %arg2[%dma_wait3A_295, %dma_wait3A_296] : memref<50000x128xf32, #tpu.memory_space<hbm>> -> memref<50000x128xf32, #tpu.memory_space<hbm>>
        %dma_wait3A_298 = tpu.memref_slice %arg9[%dma_wait3A_287] : memref<6x!tpu.dma_semaphore, #tpu.memory_space<semaphore_mem>> -> memref<1x!tpu.dma_semaphore, #tpu.memory_space<semaphore_mem>>
        %dma_wait3A_299 = tpu.memref_squeeze %dma_wait3A_298 : memref<1x!tpu.dma_semaphore, #tpu.memory_space<semaphore_mem>> -> memref<!tpu.dma_semaphore, #tpu.memory_space<semaphore_mem>>
        tpu.wait_indirect_dma semaphore(%dma_wait3A_299 : memref<!tpu.dma_semaphore, #tpu.memory_space<semaphore_mem>>) src(%dma_wait3A_297 : memref<50000x128xf32, #tpu.memory_space<hbm>>) dst(%dma_wait3A_291 : memref<128x128xf32, #tpu.memory_space<vmem>>)
        %sub3A_300 = arith.constant 2 : i32
        %sub3A_301 = arith.subi %add3A_140, %sub3A_300 : i32
        %add3A_302 = arith.addi %mul3A_2, %sub3A_301 : i32
        %mul3A_303 = arith.constant 128 : i32
        %mul3A_304 = arith.muli %add3A_302, %mul3A_303 : i32
        %dma_start3A = arith.constant 4 : i32
        %dma_start3A_305 = arith.constant 4 : i32
        %dma_start3A_306 = arith.constant 0 : i32
        %dma_start3A_307 = arith.constant 0 : i32
        %dma_start3A_308 = tpu.memref_slice %arg7[%dma_start3A, %dma_start3A_306, %dma_start3A_307] : memref<6x128x128xf32, #tpu.memory_space<vmem>> -> memref<1x128x128xf32, #tpu.memory_space<vmem>>
        %dma_start3A_309 = tpu.memref_squeeze %dma_start3A_308 : memref<1x128x128xf32, #tpu.memory_space<vmem>> -> memref<128x128xf32, #tpu.memory_space<vmem>>
        %dma_start3A_310 = arith.constant 0 : i32
        %dma_start3A_311 = tpu.memref_slice %arg5[%mul3A_304, %dma_start3A_310] : memref<400000x128xf32, #tpu.memory_space<hbm>> -> memref<128x128xf32, #tpu.memory_space<hbm>>
        %dma_start3A_312 = tpu.memref_slice %arg10[%dma_start3A_305] : memref<6x!tpu.dma_semaphore, #tpu.memory_space<semaphore_mem>> -> memref<1x!tpu.dma_semaphore, #tpu.memory_space<semaphore_mem>>
        %dma_start3A_313 = tpu.memref_squeeze %dma_start3A_312 : memref<1x!tpu.dma_semaphore, #tpu.memory_space<semaphore_mem>> -> memref<!tpu.dma_semaphore, #tpu.memory_space<semaphore_mem>>
        %dma_start3A_314 = arith.constant 0 : i32
        %dma_start3A_315 = tpu.memref_slice %arg5[%mul3A_304, %dma_start3A_314] : memref<400000x128xf32, #tpu.memory_space<hbm>> -> memref<128x128xf32, #tpu.memory_space<hbm>>
        %dma_start3A_316 = arith.constant 0 : i32
        %dma_start3A_317 = arith.constant 0 : i32
        %dma_start3A_318 = tpu.memref_slice %arg7[%dma_start3A, %dma_start3A_316, %dma_start3A_317] : memref<6x128x128xf32, #tpu.memory_space<vmem>> -> memref<1x128x128xf32, #tpu.memory_space<vmem>>
        %dma_start3A_319 = tpu.memref_squeeze %dma_start3A_318 : memref<1x128x128xf32, #tpu.memory_space<vmem>> -> memref<128x128xf32, #tpu.memory_space<vmem>>
        tpu.enqueue_dma source(%dma_start3A_319 : memref<128x128xf32, #tpu.memory_space<vmem>>) target(%dma_start3A_315 : memref<128x128xf32, #tpu.memory_space<hbm>>) target_semaphore(%dma_start3A_313 : memref<!tpu.dma_semaphore, #tpu.memory_space<semaphore_mem>>)
      } else {
      }
      %add3A_149 = arith.constant 2 : i32
      %add3A_150 = arith.addi %add3A_140, %add3A_149 : i32
      %lt3A_151 = arith.cmpi slt, %add3A_150, %min3A_4 : i32
      %convert_element_type3A_152 = arith.extui %lt3A_151 : i1 to i32
      %cond3A_153 = arith.constant 0 : i32
      %cond3A_154 = arith.cmpi ne, %convert_element_type3A_152, %cond3A_153 : i32
      scf.if %cond3A_154 {
        %add3A_284 = arith.constant 2 : i32
        %add3A_285 = arith.addi %add3A_140, %add3A_284 : i32
        %sub3A_286 = arith.constant 6 : i32
        %sub3A_287 = arith.subi %add3A_285, %sub3A_286 : i32
        %ge3A_288 = arith.constant 0 : i32
        %ge3A_289 = arith.cmpi sge, %sub3A_287, %ge3A_288 : i32
        %convert_element_type3A_290 = arith.extui %ge3A_289 : i1 to i32
        %cond3A_291 = arith.constant 0 : i32
        %cond3A_292 = arith.cmpi ne, %convert_element_type3A_290, %cond3A_291 : i32
        scf.if %cond3A_292 {
          %add3A_313 = arith.constant 2 : i32
          %add3A_314 = arith.addi %add3A_140, %add3A_313 : i32
          %sub3A_315 = arith.constant 6 : i32
          %sub3A_316 = arith.subi %add3A_314, %sub3A_315 : i32
          %add3A_317 = arith.addi %mul3A_2, %sub3A_316 : i32
          %mul3A_318 = arith.constant 128 : i32
          %mul3A_319 = arith.muli %add3A_317, %mul3A_318 : i32
          %dma_wait3A_320 = arith.constant 2 : i32
          %dma_wait3A_321 = arith.constant 2 : i32
          %dma_wait3A_322 = arith.constant 0 : i32
          %dma_wait3A_323 = arith.constant 0 : i32
          %dma_wait3A_324 = tpu.memref_slice %arg7[%dma_wait3A_320, %dma_wait3A_322, %dma_wait3A_323] : memref<6x128x128xf32, #tpu.memory_space<vmem>> -> memref<1x128x128xf32, #tpu.memory_space<vmem>>
          %dma_wait3A_325 = tpu.memref_squeeze %dma_wait3A_324 : memref<1x128x128xf32, #tpu.memory_space<vmem>> -> memref<128x128xf32, #tpu.memory_space<vmem>>
          %dma_wait3A_326 = arith.constant 0 : i32
          %dma_wait3A_327 = tpu.memref_slice %arg5[%mul3A_319, %dma_wait3A_326] : memref<400000x128xf32, #tpu.memory_space<hbm>> -> memref<128x128xf32, #tpu.memory_space<hbm>>
          %dma_wait3A_328 = tpu.memref_slice %arg10[%dma_wait3A_321] : memref<6x!tpu.dma_semaphore, #tpu.memory_space<semaphore_mem>> -> memref<1x!tpu.dma_semaphore, #tpu.memory_space<semaphore_mem>>
          %dma_wait3A_329 = tpu.memref_squeeze %dma_wait3A_328 : memref<1x!tpu.dma_semaphore, #tpu.memory_space<semaphore_mem>> -> memref<!tpu.dma_semaphore, #tpu.memory_space<semaphore_mem>>
          %dma_wait3A_330 = arith.constant 0 : i32
          %dma_wait3A_331 = tpu.memref_slice %arg5[%mul3A_319, %dma_wait3A_330] : memref<400000x128xf32, #tpu.memory_space<hbm>> -> memref<128x128xf32, #tpu.memory_space<hbm>>
          %dma_wait3A_332 = arith.constant 0 : i32
          %dma_wait3A_333 = arith.constant 0 : i32
          %dma_wait3A_334 = tpu.memref_slice %arg7[%dma_wait3A_320, %dma_wait3A_332, %dma_wait3A_333] : memref<6x128x128xf32, #tpu.memory_space<vmem>> -> memref<1x128x128xf32, #tpu.memory_space<vmem>>
          %dma_wait3A_335 = tpu.memref_squeeze %dma_wait3A_334 : memref<1x128x128xf32, #tpu.memory_space<vmem>> -> memref<128x128xf32, #tpu.memory_space<vmem>>
          tpu.wait_dma2 semaphore(%dma_wait3A_329 : memref<!tpu.dma_semaphore, #tpu.memory_space<semaphore_mem>>) src(%dma_wait3A_335 : memref<128x128xf32, #tpu.memory_space<vmem>>) dst(%dma_wait3A_331 : memref<128x128xf32, #tpu.memory_space<hbm>>)
        } else {
        }
        %add3A_293 = arith.constant 2 : i32
        %add3A_294 = arith.addi %add3A_140, %add3A_293 : i32
        %add3A_295 = arith.addi %mul3A_2, %add3A_294 : i32
        %mul3A_296 = arith.constant 128 : i32
        %mul3A_297 = arith.muli %add3A_295, %mul3A_296 : i32
        %dma_start3A = arith.constant 2 : i32
        %dma_start3A_298 = arith.constant 2 : i32
        %dma_start3A_299 = arith.constant 0 : i32
        %dma_start3A_300 = arith.constant 0 : i32
        %dma_start3A_301 = tpu.memref_slice %arg7[%dma_start3A, %dma_start3A_299, %dma_start3A_300] : memref<6x128x128xf32, #tpu.memory_space<vmem>> -> memref<1x128x128xf32, #tpu.memory_space<vmem>>
        %dma_start3A_302 = tpu.memref_squeeze %dma_start3A_301 : memref<1x128x128xf32, #tpu.memory_space<vmem>> -> memref<128x128xf32, #tpu.memory_space<vmem>>
        %dma_start3A_303 = arith.constant 0 : i32
        %dma_start3A_304 = tpu.memref_slice %arg3[%mul3A_297, %dma_start3A_303] : memref<400000x128xf32, #tpu.memory_space<hbm>> -> memref<128x128xf32, #tpu.memory_space<hbm>>
        %dma_start3A_305 = tpu.memref_slice %arg8[%dma_start3A_298] : memref<6x!tpu.dma_semaphore, #tpu.memory_space<semaphore_mem>> -> memref<1x!tpu.dma_semaphore, #tpu.memory_space<semaphore_mem>>
        %dma_start3A_306 = tpu.memref_squeeze %dma_start3A_305 : memref<1x!tpu.dma_semaphore, #tpu.memory_space<semaphore_mem>> -> memref<!tpu.dma_semaphore, #tpu.memory_space<semaphore_mem>>
        %dma_start3A_307 = arith.constant 0 : i32
        %dma_start3A_308 = arith.constant 0 : i32
        %dma_start3A_309 = tpu.memref_slice %arg7[%dma_start3A, %dma_start3A_307, %dma_start3A_308] : memref<6x128x128xf32, #tpu.memory_space<vmem>> -> memref<1x128x128xf32, #tpu.memory_space<vmem>>
        %dma_start3A_310 = tpu.memref_squeeze %dma_start3A_309 : memref<1x128x128xf32, #tpu.memory_space<vmem>> -> memref<128x128xf32, #tpu.memory_space<vmem>>
        %dma_start3A_311 = arith.constant 0 : i32
        %dma_start3A_312 = tpu.memref_slice %arg3[%mul3A_297, %dma_start3A_311] : memref<400000x128xf32, #tpu.memory_space<hbm>> -> memref<128x128xf32, #tpu.memory_space<hbm>>
        tpu.enqueue_dma source(%dma_start3A_312 : memref<128x128xf32, #tpu.memory_space<hbm>>) target(%dma_start3A_310 : memref<128x128xf32, #tpu.memory_space<vmem>>) target_semaphore(%dma_start3A_306 : memref<!tpu.dma_semaphore, #tpu.memory_space<semaphore_mem>>)
      } else {
      }
      %lt3A_155 = arith.cmpi slt, %add3A_140, %min3A_4 : i32
      %convert_element_type3A_156 = arith.extui %lt3A_155 : i1 to i32
      %cond3A_157 = arith.constant 0 : i32
      %cond3A_158 = arith.cmpi ne, %convert_element_type3A_156, %cond3A_157 : i32
      scf.if %cond3A_158 {
        %add3A_284 = arith.addi %mul3A_2, %add3A_140 : i32
        %mul3A_285 = arith.constant 128 : i32
        %mul3A_286 = arith.muli %add3A_284, %mul3A_285 : i32
        %dma_wait3A_287 = arith.constant 0 : i32
        %dma_wait3A_288 = arith.constant 0 : i32
        %dma_wait3A_289 = arith.constant 0 : i32
        %dma_wait3A_290 = arith.constant 0 : i32
        %dma_wait3A_291 = tpu.memref_slice %arg7[%dma_wait3A_287, %dma_wait3A_289, %dma_wait3A_290] : memref<6x128x128xf32, #tpu.memory_space<vmem>> -> memref<1x128x128xf32, #tpu.memory_space<vmem>>
        %dma_wait3A_292 = tpu.memref_squeeze %dma_wait3A_291 : memref<1x128x128xf32, #tpu.memory_space<vmem>> -> memref<128x128xf32, #tpu.memory_space<vmem>>
        %dma_wait3A_293 = arith.constant 0 : i32
        %dma_wait3A_294 = tpu.memref_slice %arg3[%mul3A_286, %dma_wait3A_293] : memref<400000x128xf32, #tpu.memory_space<hbm>> -> memref<128x128xf32, #tpu.memory_space<hbm>>
        %dma_wait3A_295 = tpu.memref_slice %arg8[%dma_wait3A_288] : memref<6x!tpu.dma_semaphore, #tpu.memory_space<semaphore_mem>> -> memref<1x!tpu.dma_semaphore, #tpu.memory_space<semaphore_mem>>
        %dma_wait3A_296 = tpu.memref_squeeze %dma_wait3A_295 : memref<1x!tpu.dma_semaphore, #tpu.memory_space<semaphore_mem>> -> memref<!tpu.dma_semaphore, #tpu.memory_space<semaphore_mem>>
        %dma_wait3A_297 = arith.constant 0 : i32
        %dma_wait3A_298 = arith.constant 0 : i32
        %dma_wait3A_299 = tpu.memref_slice %arg7[%dma_wait3A_287, %dma_wait3A_297, %dma_wait3A_298] : memref<6x128x128xf32, #tpu.memory_space<vmem>> -> memref<1x128x128xf32, #tpu.memory_space<vmem>>
        %dma_wait3A_300 = tpu.memref_squeeze %dma_wait3A_299 : memref<1x128x128xf32, #tpu.memory_space<vmem>> -> memref<128x128xf32, #tpu.memory_space<vmem>>
        %dma_wait3A_301 = arith.constant 0 : i32
        %dma_wait3A_302 = tpu.memref_slice %arg3[%mul3A_286, %dma_wait3A_301] : memref<400000x128xf32, #tpu.memory_space<hbm>> -> memref<128x128xf32, #tpu.memory_space<hbm>>
        tpu.wait_dma2 semaphore(%dma_wait3A_296 : memref<!tpu.dma_semaphore, #tpu.memory_space<semaphore_mem>>) src(%dma_wait3A_302 : memref<128x128xf32, #tpu.memory_space<hbm>>) dst(%dma_wait3A_300 : memref<128x128xf32, #tpu.memory_space<vmem>>)
        %dma_start3A = arith.constant 0 : i32
        %dma_start3A_303 = arith.constant 0 : i32
        %dma_start3A_304 = arith.constant 0 : i32
        %dma_start3A_305 = arith.constant 0 : i32
        %dma_start3A_306 = tpu.memref_slice %arg7[%dma_start3A, %dma_start3A_304, %dma_start3A_305] : memref<6x128x128xf32, #tpu.memory_space<vmem>> -> memref<1x128x128xf32, #tpu.memory_space<vmem>>
        %dma_start3A_307 = tpu.memref_squeeze %dma_start3A_306 : memref<1x128x128xf32, #tpu.memory_space<vmem>> -> memref<128x128xf32, #tpu.memory_space<vmem>>
        %dma_start3A_308 = arith.constant 0 : i32
        %dma_start3A_309 = tpu.memref_slice %arg6[%add3A_140, %dma_start3A_308] : memref<98x128xi32, #tpu.memory_space<vmem>> -> memref<1x128xi32, #tpu.memory_space<vmem>>
        %dma_start3A_310 = tpu.memref_squeeze %dma_start3A_309 : memref<1x128xi32, #tpu.memory_space<vmem>> -> memref<128xi32, #tpu.memory_space<vmem>>
        %dma_start3A_311 = arith.constant 0 : i32
        %dma_start3A_312 = arith.constant 0 : i32
        %dma_start3A_313 = tpu.memref_slice %arg2[%dma_start3A_311, %dma_start3A_312] : memref<50000x128xf32, #tpu.memory_space<hbm>> -> memref<50000x128xf32, #tpu.memory_space<hbm>>
        %dma_start3A_314 = tpu.memref_slice %arg9[%dma_start3A_303] : memref<6x!tpu.dma_semaphore, #tpu.memory_space<semaphore_mem>> -> memref<1x!tpu.dma_semaphore, #tpu.memory_space<semaphore_mem>>
        %dma_start3A_315 = tpu.memref_squeeze %dma_start3A_314 : memref<1x!tpu.dma_semaphore, #tpu.memory_space<semaphore_mem>> -> memref<!tpu.dma_semaphore, #tpu.memory_space<semaphore_mem>>
        tpu.enqueue_indirect_dma source(%dma_start3A_313 : memref<50000x128xf32, #tpu.memory_space<hbm>>) target(%dma_start3A_307 : memref<128x128xf32, #tpu.memory_space<vmem>>) offsets(%dma_start3A_310 : memref<128xi32, #tpu.memory_space<vmem>>) semaphore(%dma_start3A_315 : memref<!tpu.dma_semaphore, #tpu.memory_space<semaphore_mem>>) {add = true}
      } else {
      }
      %mul3A_159 = arith.constant 6 : i32
      %mul3A_160 = arith.muli %scan3A_136, %mul3A_159 : i32
      %add3A_161 = arith.constant 1 : i32
      %add3A_162 = arith.addi %mul3A_160, %add3A_161 : i32
      %sub3A_163 = arith.constant 2 : i32
      %sub3A_164 = arith.subi %add3A_162, %sub3A_163 : i32
      %ge3A_165 = arith.constant 0 : i32
      %ge3A_166 = arith.cmpi sge, %sub3A_164, %ge3A_165 : i32
      %sub3A_167 = arith.constant 2 : i32
      %sub3A_168 = arith.subi %add3A_162, %sub3A_167 : i32
      %lt3A_169 = arith.cmpi slt, %sub3A_168, %min3A_4 : i32
      %and3A_170 = arith.andi %ge3A_166, %lt3A_169 : i1
      %convert_element_type3A_171 = arith.extui %and3A_170 : i1 to i32
      %cond3A_172 = arith.constant 0 : i32
      %cond3A_173 = arith.cmpi ne, %convert_element_type3A_171, %cond3A_172 : i32
      scf.if %cond3A_173 {
        %sub3A_284 = arith.constant 2 : i32
        %sub3A_285 = arith.subi %add3A_162, %sub3A_284 : i32
        %dma_wait3A_286 = arith.constant 5 : i32
        %dma_wait3A_287 = arith.constant 5 : i32
        %dma_wait3A_288 = arith.constant 0 : i32
        %dma_wait3A_289 = arith.constant 0 : i32
        %dma_wait3A_290 = tpu.memref_slice %arg7[%dma_wait3A_286, %dma_wait3A_288, %dma_wait3A_289] : memref<6x128x128xf32, #tpu.memory_space<vmem>> -> memref<1x128x128xf32, #tpu.memory_space<vmem>>
        %dma_wait3A_291 = tpu.memref_squeeze %dma_wait3A_290 : memref<1x128x128xf32, #tpu.memory_space<vmem>> -> memref<128x128xf32, #tpu.memory_space<vmem>>
        %dma_wait3A_292 = arith.constant 0 : i32
        %dma_wait3A_293 = tpu.memref_slice %arg6[%sub3A_285, %dma_wait3A_292] : memref<98x128xi32, #tpu.memory_space<vmem>> -> memref<1x128xi32, #tpu.memory_space<vmem>>
        %dma_wait3A_294 = tpu.memref_squeeze %dma_wait3A_293 : memref<1x128xi32, #tpu.memory_space<vmem>> -> memref<128xi32, #tpu.memory_space<vmem>>
        %dma_wait3A_295 = arith.constant 0 : i32
        %dma_wait3A_296 = arith.constant 0 : i32
        %dma_wait3A_297 = tpu.memref_slice %arg2[%dma_wait3A_295, %dma_wait3A_296] : memref<50000x128xf32, #tpu.memory_space<hbm>> -> memref<50000x128xf32, #tpu.memory_space<hbm>>
        %dma_wait3A_298 = tpu.memref_slice %arg9[%dma_wait3A_287] : memref<6x!tpu.dma_semaphore, #tpu.memory_space<semaphore_mem>> -> memref<1x!tpu.dma_semaphore, #tpu.memory_space<semaphore_mem>>
        %dma_wait3A_299 = tpu.memref_squeeze %dma_wait3A_298 : memref<1x!tpu.dma_semaphore, #tpu.memory_space<semaphore_mem>> -> memref<!tpu.dma_semaphore, #tpu.memory_space<semaphore_mem>>
        tpu.wait_indirect_dma semaphore(%dma_wait3A_299 : memref<!tpu.dma_semaphore, #tpu.memory_space<semaphore_mem>>) src(%dma_wait3A_297 : memref<50000x128xf32, #tpu.memory_space<hbm>>) dst(%dma_wait3A_291 : memref<128x128xf32, #tpu.memory_space<vmem>>)
        %sub3A_300 = arith.constant 2 : i32
        %sub3A_301 = arith.subi %add3A_162, %sub3A_300 : i32
        %add3A_302 = arith.addi %mul3A_2, %sub3A_301 : i32
        %mul3A_303 = arith.constant 128 : i32
        %mul3A_304 = arith.muli %add3A_302, %mul3A_303 : i32
        %dma_start3A = arith.constant 5 : i32
        %dma_start3A_305 = arith.constant 5 : i32
        %dma_start3A_306 = arith.constant 0 : i32
        %dma_start3A_307 = arith.constant 0 : i32
        %dma_start3A_308 = tpu.memref_slice %arg7[%dma_start3A, %dma_start3A_306, %dma_start3A_307] : memref<6x128x128xf32, #tpu.memory_space<vmem>> -> memref<1x128x128xf32, #tpu.memory_space<vmem>>
        %dma_start3A_309 = tpu.memref_squeeze %dma_start3A_308 : memref<1x128x128xf32, #tpu.memory_space<vmem>> -> memref<128x128xf32, #tpu.memory_space<vmem>>
        %dma_start3A_310 = arith.constant 0 : i32
        %dma_start3A_311 = tpu.memref_slice %arg5[%mul3A_304, %dma_start3A_310] : memref<400000x128xf32, #tpu.memory_space<hbm>> -> memref<128x128xf32, #tpu.memory_space<hbm>>
        %dma_start3A_312 = tpu.memref_slice %arg10[%dma_start3A_305] : memref<6x!tpu.dma_semaphore, #tpu.memory_space<semaphore_mem>> -> memref<1x!tpu.dma_semaphore, #tpu.memory_space<semaphore_mem>>
        %dma_start3A_313 = tpu.memref_squeeze %dma_start3A_312 : memref<1x!tpu.dma_semaphore, #tpu.memory_space<semaphore_mem>> -> memref<!tpu.dma_semaphore, #tpu.memory_space<semaphore_mem>>
        %dma_start3A_314 = arith.constant 0 : i32
        %dma_start3A_315 = tpu.memref_slice %arg5[%mul3A_304, %dma_start3A_314] : memref<400000x128xf32, #tpu.memory_space<hbm>> -> memref<128x128xf32, #tpu.memory_space<hbm>>
        %dma_start3A_316 = arith.constant 0 : i32
        %dma_start3A_317 = arith.constant 0 : i32
        %dma_start3A_318 = tpu.memref_slice %arg7[%dma_start3A, %dma_start3A_316, %dma_start3A_317] : memref<6x128x128xf32, #tpu.memory_space<vmem>> -> memref<1x128x128xf32, #tpu.memory_space<vmem>>
        %dma_start3A_319 = tpu.memref_squeeze %dma_start3A_318 : memref<1x128x128xf32, #tpu.memory_space<vmem>> -> memref<128x128xf32, #tpu.memory_space<vmem>>
        tpu.enqueue_dma source(%dma_start3A_319 : memref<128x128xf32, #tpu.memory_space<vmem>>) target(%dma_start3A_315 : memref<128x128xf32, #tpu.memory_space<hbm>>) target_semaphore(%dma_start3A_313 : memref<!tpu.dma_semaphore, #tpu.memory_space<semaphore_mem>>)
      } else {
      }
      %add3A_174 = arith.constant 2 : i32
      %add3A_175 = arith.addi %add3A_162, %add3A_174 : i32
      %lt3A_176 = arith.cmpi slt, %add3A_175, %min3A_4 : i32
      %convert_element_type3A_177 = arith.extui %lt3A_176 : i1 to i32
      %cond3A_178 = arith.constant 0 : i32
      %cond3A_179 = arith.cmpi ne, %convert_element_type3A_177, %cond3A_178 : i32
      scf.if %cond3A_179 {
        %add3A_284 = arith.constant 2 : i32
        %add3A_285 = arith.addi %add3A_162, %add3A_284 : i32
        %sub3A_286 = arith.constant 6 : i32
        %sub3A_287 = arith.subi %add3A_285, %sub3A_286 : i32
        %ge3A_288 = arith.constant 0 : i32
        %ge3A_289 = arith.cmpi sge, %sub3A_287, %ge3A_288 : i32
        %convert_element_type3A_290 = arith.extui %ge3A_289 : i1 to i32
        %cond3A_291 = arith.constant 0 : i32
        %cond3A_292 = arith.cmpi ne, %convert_element_type3A_290, %cond3A_291 : i32
        scf.if %cond3A_292 {
          %add3A_313 = arith.constant 2 : i32
          %add3A_314 = arith.addi %add3A_162, %add3A_313 : i32
          %sub3A_315 = arith.constant 6 : i32
          %sub3A_316 = arith.subi %add3A_314, %sub3A_315 : i32
          %add3A_317 = arith.addi %mul3A_2, %sub3A_316 : i32
          %mul3A_318 = arith.constant 128 : i32
          %mul3A_319 = arith.muli %add3A_317, %mul3A_318 : i32
          %dma_wait3A_320 = arith.constant 3 : i32
          %dma_wait3A_321 = arith.constant 3 : i32
          %dma_wait3A_322 = arith.constant 0 : i32
          %dma_wait3A_323 = arith.constant 0 : i32
          %dma_wait3A_324 = tpu.memref_slice %arg7[%dma_wait3A_320, %dma_wait3A_322, %dma_wait3A_323] : memref<6x128x128xf32, #tpu.memory_space<vmem>> -> memref<1x128x128xf32, #tpu.memory_space<vmem>>
          %dma_wait3A_325 = tpu.memref_squeeze %dma_wait3A_324 : memref<1x128x128xf32, #tpu.memory_space<vmem>> -> memref<128x128xf32, #tpu.memory_space<vmem>>
          %dma_wait3A_326 = arith.constant 0 : i32
          %dma_wait3A_327 = tpu.memref_slice %arg5[%mul3A_319, %dma_wait3A_326] : memref<400000x128xf32, #tpu.memory_space<hbm>> -> memref<128x128xf32, #tpu.memory_space<hbm>>
          %dma_wait3A_328 = tpu.memref_slice %arg10[%dma_wait3A_321] : memref<6x!tpu.dma_semaphore, #tpu.memory_space<semaphore_mem>> -> memref<1x!tpu.dma_semaphore, #tpu.memory_space<semaphore_mem>>
          %dma_wait3A_329 = tpu.memref_squeeze %dma_wait3A_328 : memref<1x!tpu.dma_semaphore, #tpu.memory_space<semaphore_mem>> -> memref<!tpu.dma_semaphore, #tpu.memory_space<semaphore_mem>>
          %dma_wait3A_330 = arith.constant 0 : i32
          %dma_wait3A_331 = tpu.memref_slice %arg5[%mul3A_319, %dma_wait3A_330] : memref<400000x128xf32, #tpu.memory_space<hbm>> -> memref<128x128xf32, #tpu.memory_space<hbm>>
          %dma_wait3A_332 = arith.constant 0 : i32
          %dma_wait3A_333 = arith.constant 0 : i32
          %dma_wait3A_334 = tpu.memref_slice %arg7[%dma_wait3A_320, %dma_wait3A_332, %dma_wait3A_333] : memref<6x128x128xf32, #tpu.memory_space<vmem>> -> memref<1x128x128xf32, #tpu.memory_space<vmem>>
          %dma_wait3A_335 = tpu.memref_squeeze %dma_wait3A_334 : memref<1x128x128xf32, #tpu.memory_space<vmem>> -> memref<128x128xf32, #tpu.memory_space<vmem>>
          tpu.wait_dma2 semaphore(%dma_wait3A_329 : memref<!tpu.dma_semaphore, #tpu.memory_space<semaphore_mem>>) src(%dma_wait3A_335 : memref<128x128xf32, #tpu.memory_space<vmem>>) dst(%dma_wait3A_331 : memref<128x128xf32, #tpu.memory_space<hbm>>)
        } else {
        }
        %add3A_293 = arith.constant 2 : i32
        %add3A_294 = arith.addi %add3A_162, %add3A_293 : i32
        %add3A_295 = arith.addi %mul3A_2, %add3A_294 : i32
        %mul3A_296 = arith.constant 128 : i32
        %mul3A_297 = arith.muli %add3A_295, %mul3A_296 : i32
        %dma_start3A = arith.constant 3 : i32
        %dma_start3A_298 = arith.constant 3 : i32
        %dma_start3A_299 = arith.constant 0 : i32
        %dma_start3A_300 = arith.constant 0 : i32
        %dma_start3A_301 = tpu.memref_slice %arg7[%dma_start3A, %dma_start3A_299, %dma_start3A_300] : memref<6x128x128xf32, #tpu.memory_space<vmem>> -> memref<1x128x128xf32, #tpu.memory_space<vmem>>
        %dma_start3A_302 = tpu.memref_squeeze %dma_start3A_301 : memref<1x128x128xf32, #tpu.memory_space<vmem>> -> memref<128x128xf32, #tpu.memory_space<vmem>>
        %dma_start3A_303 = arith.constant 0 : i32
        %dma_start3A_304 = tpu.memref_slice %arg3[%mul3A_297, %dma_start3A_303] : memref<400000x128xf32, #tpu.memory_space<hbm>> -> memref<128x128xf32, #tpu.memory_space<hbm>>
        %dma_start3A_305 = tpu.memref_slice %arg8[%dma_start3A_298] : memref<6x!tpu.dma_semaphore, #tpu.memory_space<semaphore_mem>> -> memref<1x!tpu.dma_semaphore, #tpu.memory_space<semaphore_mem>>
        %dma_start3A_306 = tpu.memref_squeeze %dma_start3A_305 : memref<1x!tpu.dma_semaphore, #tpu.memory_space<semaphore_mem>> -> memref<!tpu.dma_semaphore, #tpu.memory_space<semaphore_mem>>
        %dma_start3A_307 = arith.constant 0 : i32
        %dma_start3A_308 = arith.constant 0 : i32
        %dma_start3A_309 = tpu.memref_slice %arg7[%dma_start3A, %dma_start3A_307, %dma_start3A_308] : memref<6x128x128xf32, #tpu.memory_space<vmem>> -> memref<1x128x128xf32, #tpu.memory_space<vmem>>
        %dma_start3A_310 = tpu.memref_squeeze %dma_start3A_309 : memref<1x128x128xf32, #tpu.memory_space<vmem>> -> memref<128x128xf32, #tpu.memory_space<vmem>>
        %dma_start3A_311 = arith.constant 0 : i32
        %dma_start3A_312 = tpu.memref_slice %arg3[%mul3A_297, %dma_start3A_311] : memref<400000x128xf32, #tpu.memory_space<hbm>> -> memref<128x128xf32, #tpu.memory_space<hbm>>
        tpu.enqueue_dma source(%dma_start3A_312 : memref<128x128xf32, #tpu.memory_space<hbm>>) target(%dma_start3A_310 : memref<128x128xf32, #tpu.memory_space<vmem>>) target_semaphore(%dma_start3A_306 : memref<!tpu.dma_semaphore, #tpu.memory_space<semaphore_mem>>)
      } else {
      }
      %lt3A_180 = arith.cmpi slt, %add3A_162, %min3A_4 : i32
      %convert_element_type3A_181 = arith.extui %lt3A_180 : i1 to i32
      %cond3A_182 = arith.constant 0 : i32
      %cond3A_183 = arith.cmpi ne, %convert_element_type3A_181, %cond3A_182 : i32
      scf.if %cond3A_183 {
        %add3A_284 = arith.addi %mul3A_2, %add3A_162 : i32
        %mul3A_285 = arith.constant 128 : i32
        %mul3A_286 = arith.muli %add3A_284, %mul3A_285 : i32
        %dma_wait3A_287 = arith.constant 1 : i32
        %dma_wait3A_288 = arith.constant 1 : i32
        %dma_wait3A_289 = arith.constant 0 : i32
        %dma_wait3A_290 = arith.constant 0 : i32
        %dma_wait3A_291 = tpu.memref_slice %arg7[%dma_wait3A_287, %dma_wait3A_289, %dma_wait3A_290] : memref<6x128x128xf32, #tpu.memory_space<vmem>> -> memref<1x128x128xf32, #tpu.memory_space<vmem>>
        %dma_wait3A_292 = tpu.memref_squeeze %dma_wait3A_291 : memref<1x128x128xf32, #tpu.memory_space<vmem>> -> memref<128x128xf32, #tpu.memory_space<vmem>>
        %dma_wait3A_293 = arith.constant 0 : i32
        %dma_wait3A_294 = tpu.memref_slice %arg3[%mul3A_286, %dma_wait3A_293] : memref<400000x128xf32, #tpu.memory_space<hbm>> -> memref<128x128xf32, #tpu.memory_space<hbm>>
        %dma_wait3A_295 = tpu.memref_slice %arg8[%dma_wait3A_288] : memref<6x!tpu.dma_semaphore, #tpu.memory_space<semaphore_mem>> -> memref<1x!tpu.dma_semaphore, #tpu.memory_space<semaphore_mem>>
        %dma_wait3A_296 = tpu.memref_squeeze %dma_wait3A_295 : memref<1x!tpu.dma_semaphore, #tpu.memory_space<semaphore_mem>> -> memref<!tpu.dma_semaphore, #tpu.memory_space<semaphore_mem>>
        %dma_wait3A_297 = arith.constant 0 : i32
        %dma_wait3A_298 = arith.constant 0 : i32
        %dma_wait3A_299 = tpu.memref_slice %arg7[%dma_wait3A_287, %dma_wait3A_297, %dma_wait3A_298] : memref<6x128x128xf32, #tpu.memory_space<vmem>> -> memref<1x128x128xf32, #tpu.memory_space<vmem>>
        %dma_wait3A_300 = tpu.memref_squeeze %dma_wait3A_299 : memref<1x128x128xf32, #tpu.memory_space<vmem>> -> memref<128x128xf32, #tpu.memory_space<vmem>>
        %dma_wait3A_301 = arith.constant 0 : i32
        %dma_wait3A_302 = tpu.memref_slice %arg3[%mul3A_286, %dma_wait3A_301] : memref<400000x128xf32, #tpu.memory_space<hbm>> -> memref<128x128xf32, #tpu.memory_space<hbm>>
        tpu.wait_dma2 semaphore(%dma_wait3A_296 : memref<!tpu.dma_semaphore, #tpu.memory_space<semaphore_mem>>) src(%dma_wait3A_302 : memref<128x128xf32, #tpu.memory_space<hbm>>) dst(%dma_wait3A_300 : memref<128x128xf32, #tpu.memory_space<vmem>>)
        %dma_start3A = arith.constant 1 : i32
        %dma_start3A_303 = arith.constant 1 : i32
        %dma_start3A_304 = arith.constant 0 : i32
        %dma_start3A_305 = arith.constant 0 : i32
        %dma_start3A_306 = tpu.memref_slice %arg7[%dma_start3A, %dma_start3A_304, %dma_start3A_305] : memref<6x128x128xf32, #tpu.memory_space<vmem>> -> memref<1x128x128xf32, #tpu.memory_space<vmem>>
        %dma_start3A_307 = tpu.memref_squeeze %dma_start3A_306 : memref<1x128x128xf32, #tpu.memory_space<vmem>> -> memref<128x128xf32, #tpu.memory_space<vmem>>
        %dma_start3A_308 = arith.constant 0 : i32
        %dma_start3A_309 = tpu.memref_slice %arg6[%add3A_162, %dma_start3A_308] : memref<98x128xi32, #tpu.memory_space<vmem>> -> memref<1x128xi32, #tpu.memory_space<vmem>>
        %dma_start3A_310 = tpu.memref_squeeze %dma_start3A_309 : memref<1x128xi32, #tpu.memory_space<vmem>> -> memref<128xi32, #tpu.memory_space<vmem>>
        %dma_start3A_311 = arith.constant 0 : i32
        %dma_start3A_312 = arith.constant 0 : i32
        %dma_start3A_313 = tpu.memref_slice %arg2[%dma_start3A_311, %dma_start3A_312] : memref<50000x128xf32, #tpu.memory_space<hbm>> -> memref<50000x128xf32, #tpu.memory_space<hbm>>
        %dma_start3A_314 = tpu.memref_slice %arg9[%dma_start3A_303] : memref<6x!tpu.dma_semaphore, #tpu.memory_space<semaphore_mem>> -> memref<1x!tpu.dma_semaphore, #tpu.memory_space<semaphore_mem>>
        %dma_start3A_315 = tpu.memref_squeeze %dma_start3A_314 : memref<1x!tpu.dma_semaphore, #tpu.memory_space<semaphore_mem>> -> memref<!tpu.dma_semaphore, #tpu.memory_space<semaphore_mem>>
        tpu.enqueue_indirect_dma source(%dma_start3A_313 : memref<50000x128xf32, #tpu.memory_space<hbm>>) target(%dma_start3A_307 : memref<128x128xf32, #tpu.memory_space<vmem>>) offsets(%dma_start3A_310 : memref<128xi32, #tpu.memory_space<vmem>>) semaphore(%dma_start3A_315 : memref<!tpu.dma_semaphore, #tpu.memory_space<semaphore_mem>>) {add = true}
      } else {
      }
      %mul3A_184 = arith.constant 6 : i32
      %mul3A_185 = arith.muli %scan3A_136, %mul3A_184 : i32
      %add3A_186 = arith.constant 2 : i32
      %add3A_187 = arith.addi %mul3A_185, %add3A_186 : i32
      %sub3A_188 = arith.constant 2 : i32
      %sub3A_189 = arith.subi %add3A_187, %sub3A_188 : i32
      %ge3A_190 = arith.constant 0 : i32
      %ge3A_191 = arith.cmpi sge, %sub3A_189, %ge3A_190 : i32
      %sub3A_192 = arith.constant 2 : i32
      %sub3A_193 = arith.subi %add3A_187, %sub3A_192 : i32
      %lt3A_194 = arith.cmpi slt, %sub3A_193, %min3A_4 : i32
      %and3A_195 = arith.andi %ge3A_191, %lt3A_194 : i1
      %convert_element_type3A_196 = arith.extui %and3A_195 : i1 to i32
      %cond3A_197 = arith.constant 0 : i32
      %cond3A_198 = arith.cmpi ne, %convert_element_type3A_196, %cond3A_197 : i32
      scf.if %cond3A_198 {
        %sub3A_284 = arith.constant 2 : i32
        %sub3A_285 = arith.subi %add3A_187, %sub3A_284 : i32
        %dma_wait3A_286 = arith.constant 0 : i32
        %dma_wait3A_287 = arith.constant 0 : i32
        %dma_wait3A_288 = arith.constant 0 : i32
        %dma_wait3A_289 = arith.constant 0 : i32
        %dma_wait3A_290 = tpu.memref_slice %arg7[%dma_wait3A_286, %dma_wait3A_288, %dma_wait3A_289] : memref<6x128x128xf32, #tpu.memory_space<vmem>> -> memref<1x128x128xf32, #tpu.memory_space<vmem>>
        %dma_wait3A_291 = tpu.memref_squeeze %dma_wait3A_290 : memref<1x128x128xf32, #tpu.memory_space<vmem>> -> memref<128x128xf32, #tpu.memory_space<vmem>>
        %dma_wait3A_292 = arith.constant 0 : i32
        %dma_wait3A_293 = tpu.memref_slice %arg6[%sub3A_285, %dma_wait3A_292] : memref<98x128xi32, #tpu.memory_space<vmem>> -> memref<1x128xi32, #tpu.memory_space<vmem>>
        %dma_wait3A_294 = tpu.memref_squeeze %dma_wait3A_293 : memref<1x128xi32, #tpu.memory_space<vmem>> -> memref<128xi32, #tpu.memory_space<vmem>>
        %dma_wait3A_295 = arith.constant 0 : i32
        %dma_wait3A_296 = arith.constant 0 : i32
        %dma_wait3A_297 = tpu.memref_slice %arg2[%dma_wait3A_295, %dma_wait3A_296] : memref<50000x128xf32, #tpu.memory_space<hbm>> -> memref<50000x128xf32, #tpu.memory_space<hbm>>
        %dma_wait3A_298 = tpu.memref_slice %arg9[%dma_wait3A_287] : memref<6x!tpu.dma_semaphore, #tpu.memory_space<semaphore_mem>> -> memref<1x!tpu.dma_semaphore, #tpu.memory_space<semaphore_mem>>
        %dma_wait3A_299 = tpu.memref_squeeze %dma_wait3A_298 : memref<1x!tpu.dma_semaphore, #tpu.memory_space<semaphore_mem>> -> memref<!tpu.dma_semaphore, #tpu.memory_space<semaphore_mem>>
        tpu.wait_indirect_dma semaphore(%dma_wait3A_299 : memref<!tpu.dma_semaphore, #tpu.memory_space<semaphore_mem>>) src(%dma_wait3A_297 : memref<50000x128xf32, #tpu.memory_space<hbm>>) dst(%dma_wait3A_291 : memref<128x128xf32, #tpu.memory_space<vmem>>)
        %sub3A_300 = arith.constant 2 : i32
        %sub3A_301 = arith.subi %add3A_187, %sub3A_300 : i32
        %add3A_302 = arith.addi %mul3A_2, %sub3A_301 : i32
        %mul3A_303 = arith.constant 128 : i32
        %mul3A_304 = arith.muli %add3A_302, %mul3A_303 : i32
        %dma_start3A = arith.constant 0 : i32
        %dma_start3A_305 = arith.constant 0 : i32
        %dma_start3A_306 = arith.constant 0 : i32
        %dma_start3A_307 = arith.constant 0 : i32
        %dma_start3A_308 = tpu.memref_slice %arg7[%dma_start3A, %dma_start3A_306, %dma_start3A_307] : memref<6x128x128xf32, #tpu.memory_space<vmem>> -> memref<1x128x128xf32, #tpu.memory_space<vmem>>
        %dma_start3A_309 = tpu.memref_squeeze %dma_start3A_308 : memref<1x128x128xf32, #tpu.memory_space<vmem>> -> memref<128x128xf32, #tpu.memory_space<vmem>>
        %dma_start3A_310 = arith.constant 0 : i32
        %dma_start3A_311 = tpu.memref_slice %arg5[%mul3A_304, %dma_start3A_310] : memref<400000x128xf32, #tpu.memory_space<hbm>> -> memref<128x128xf32, #tpu.memory_space<hbm>>
        %dma_start3A_312 = tpu.memref_slice %arg10[%dma_start3A_305] : memref<6x!tpu.dma_semaphore, #tpu.memory_space<semaphore_mem>> -> memref<1x!tpu.dma_semaphore, #tpu.memory_space<semaphore_mem>>
        %dma_start3A_313 = tpu.memref_squeeze %dma_start3A_312 : memref<1x!tpu.dma_semaphore, #tpu.memory_space<semaphore_mem>> -> memref<!tpu.dma_semaphore, #tpu.memory_space<semaphore_mem>>
        %dma_start3A_314 = arith.constant 0 : i32
        %dma_start3A_315 = tpu.memref_slice %arg5[%mul3A_304, %dma_start3A_314] : memref<400000x128xf32, #tpu.memory_space<hbm>> -> memref<128x128xf32, #tpu.memory_space<hbm>>
        %dma_start3A_316 = arith.constant 0 : i32
        %dma_start3A_317 = arith.constant 0 : i32
        %dma_start3A_318 = tpu.memref_slice %arg7[%dma_start3A, %dma_start3A_316, %dma_start3A_317] : memref<6x128x128xf32, #tpu.memory_space<vmem>> -> memref<1x128x128xf32, #tpu.memory_space<vmem>>
        %dma_start3A_319 = tpu.memref_squeeze %dma_start3A_318 : memref<1x128x128xf32, #tpu.memory_space<vmem>> -> memref<128x128xf32, #tpu.memory_space<vmem>>
        tpu.enqueue_dma source(%dma_start3A_319 : memref<128x128xf32, #tpu.memory_space<vmem>>) target(%dma_start3A_315 : memref<128x128xf32, #tpu.memory_space<hbm>>) target_semaphore(%dma_start3A_313 : memref<!tpu.dma_semaphore, #tpu.memory_space<semaphore_mem>>)
      } else {
      }
      %add3A_199 = arith.constant 2 : i32
      %add3A_200 = arith.addi %add3A_187, %add3A_199 : i32
      %lt3A_201 = arith.cmpi slt, %add3A_200, %min3A_4 : i32
      %convert_element_type3A_202 = arith.extui %lt3A_201 : i1 to i32
      %cond3A_203 = arith.constant 0 : i32
      %cond3A_204 = arith.cmpi ne, %convert_element_type3A_202, %cond3A_203 : i32
      scf.if %cond3A_204 {
        %add3A_284 = arith.constant 2 : i32
        %add3A_285 = arith.addi %add3A_187, %add3A_284 : i32
        %sub3A_286 = arith.constant 6 : i32
        %sub3A_287 = arith.subi %add3A_285, %sub3A_286 : i32
        %ge3A_288 = arith.constant 0 : i32
        %ge3A_289 = arith.cmpi sge, %sub3A_287, %ge3A_288 : i32
        %convert_element_type3A_290 = arith.extui %ge3A_289 : i1 to i32
        %cond3A_291 = arith.constant 0 : i32
        %cond3A_292 = arith.cmpi ne, %convert_element_type3A_290, %cond3A_291 : i32
        scf.if %cond3A_292 {
          %add3A_313 = arith.constant 2 : i32
          %add3A_314 = arith.addi %add3A_187, %add3A_313 : i32
          %sub3A_315 = arith.constant 6 : i32
          %sub3A_316 = arith.subi %add3A_314, %sub3A_315 : i32
          %add3A_317 = arith.addi %mul3A_2, %sub3A_316 : i32
          %mul3A_318 = arith.constant 128 : i32
          %mul3A_319 = arith.muli %add3A_317, %mul3A_318 : i32
          %dma_wait3A_320 = arith.constant 4 : i32
          %dma_wait3A_321 = arith.constant 4 : i32
          %dma_wait3A_322 = arith.constant 0 : i32
          %dma_wait3A_323 = arith.constant 0 : i32
          %dma_wait3A_324 = tpu.memref_slice %arg7[%dma_wait3A_320, %dma_wait3A_322, %dma_wait3A_323] : memref<6x128x128xf32, #tpu.memory_space<vmem>> -> memref<1x128x128xf32, #tpu.memory_space<vmem>>
          %dma_wait3A_325 = tpu.memref_squeeze %dma_wait3A_324 : memref<1x128x128xf32, #tpu.memory_space<vmem>> -> memref<128x128xf32, #tpu.memory_space<vmem>>
          %dma_wait3A_326 = arith.constant 0 : i32
          %dma_wait3A_327 = tpu.memref_slice %arg5[%mul3A_319, %dma_wait3A_326] : memref<400000x128xf32, #tpu.memory_space<hbm>> -> memref<128x128xf32, #tpu.memory_space<hbm>>
          %dma_wait3A_328 = tpu.memref_slice %arg10[%dma_wait3A_321] : memref<6x!tpu.dma_semaphore, #tpu.memory_space<semaphore_mem>> -> memref<1x!tpu.dma_semaphore, #tpu.memory_space<semaphore_mem>>
          %dma_wait3A_329 = tpu.memref_squeeze %dma_wait3A_328 : memref<1x!tpu.dma_semaphore, #tpu.memory_space<semaphore_mem>> -> memref<!tpu.dma_semaphore, #tpu.memory_space<semaphore_mem>>
          %dma_wait3A_330 = arith.constant 0 : i32
          %dma_wait3A_331 = tpu.memref_slice %arg5[%mul3A_319, %dma_wait3A_330] : memref<400000x128xf32, #tpu.memory_space<hbm>> -> memref<128x128xf32, #tpu.memory_space<hbm>>
          %dma_wait3A_332 = arith.constant 0 : i32
          %dma_wait3A_333 = arith.constant 0 : i32
          %dma_wait3A_334 = tpu.memref_slice %arg7[%dma_wait3A_320, %dma_wait3A_332, %dma_wait3A_333] : memref<6x128x128xf32, #tpu.memory_space<vmem>> -> memref<1x128x128xf32, #tpu.memory_space<vmem>>
          %dma_wait3A_335 = tpu.memref_squeeze %dma_wait3A_334 : memref<1x128x128xf32, #tpu.memory_space<vmem>> -> memref<128x128xf32, #tpu.memory_space<vmem>>
          tpu.wait_dma2 semaphore(%dma_wait3A_329 : memref<!tpu.dma_semaphore, #tpu.memory_space<semaphore_mem>>) src(%dma_wait3A_335 : memref<128x128xf32, #tpu.memory_space<vmem>>) dst(%dma_wait3A_331 : memref<128x128xf32, #tpu.memory_space<hbm>>)
        } else {
        }
        %add3A_293 = arith.constant 2 : i32
        %add3A_294 = arith.addi %add3A_187, %add3A_293 : i32
        %add3A_295 = arith.addi %mul3A_2, %add3A_294 : i32
        %mul3A_296 = arith.constant 128 : i32
        %mul3A_297 = arith.muli %add3A_295, %mul3A_296 : i32
        %dma_start3A = arith.constant 4 : i32
        %dma_start3A_298 = arith.constant 4 : i32
        %dma_start3A_299 = arith.constant 0 : i32
        %dma_start3A_300 = arith.constant 0 : i32
        %dma_start3A_301 = tpu.memref_slice %arg7[%dma_start3A, %dma_start3A_299, %dma_start3A_300] : memref<6x128x128xf32, #tpu.memory_space<vmem>> -> memref<1x128x128xf32, #tpu.memory_space<vmem>>
        %dma_start3A_302 = tpu.memref_squeeze %dma_start3A_301 : memref<1x128x128xf32, #tpu.memory_space<vmem>> -> memref<128x128xf32, #tpu.memory_space<vmem>>
        %dma_start3A_303 = arith.constant 0 : i32
        %dma_start3A_304 = tpu.memref_slice %arg3[%mul3A_297, %dma_start3A_303] : memref<400000x128xf32, #tpu.memory_space<hbm>> -> memref<128x128xf32, #tpu.memory_space<hbm>>
        %dma_start3A_305 = tpu.memref_slice %arg8[%dma_start3A_298] : memref<6x!tpu.dma_semaphore, #tpu.memory_space<semaphore_mem>> -> memref<1x!tpu.dma_semaphore, #tpu.memory_space<semaphore_mem>>
        %dma_start3A_306 = tpu.memref_squeeze %dma_start3A_305 : memref<1x!tpu.dma_semaphore, #tpu.memory_space<semaphore_mem>> -> memref<!tpu.dma_semaphore, #tpu.memory_space<semaphore_mem>>
        %dma_start3A_307 = arith.constant 0 : i32
        %dma_start3A_308 = arith.constant 0 : i32
        %dma_start3A_309 = tpu.memref_slice %arg7[%dma_start3A, %dma_start3A_307, %dma_start3A_308] : memref<6x128x128xf32, #tpu.memory_space<vmem>> -> memref<1x128x128xf32, #tpu.memory_space<vmem>>
        %dma_start3A_310 = tpu.memref_squeeze %dma_start3A_309 : memref<1x128x128xf32, #tpu.memory_space<vmem>> -> memref<128x128xf32, #tpu.memory_space<vmem>>
        %dma_start3A_311 = arith.constant 0 : i32
        %dma_start3A_312 = tpu.memref_slice %arg3[%mul3A_297, %dma_start3A_311] : memref<400000x128xf32, #tpu.memory_space<hbm>> -> memref<128x128xf32, #tpu.memory_space<hbm>>
        tpu.enqueue_dma source(%dma_start3A_312 : memref<128x128xf32, #tpu.memory_space<hbm>>) target(%dma_start3A_310 : memref<128x128xf32, #tpu.memory_space<vmem>>) target_semaphore(%dma_start3A_306 : memref<!tpu.dma_semaphore, #tpu.memory_space<semaphore_mem>>)
      } else {
      }
      %lt3A_205 = arith.cmpi slt, %add3A_187, %min3A_4 : i32
      %convert_element_type3A_206 = arith.extui %lt3A_205 : i1 to i32
      %cond3A_207 = arith.constant 0 : i32
      %cond3A_208 = arith.cmpi ne, %convert_element_type3A_206, %cond3A_207 : i32
      scf.if %cond3A_208 {
        %add3A_284 = arith.addi %mul3A_2, %add3A_187 : i32
        %mul3A_285 = arith.constant 128 : i32
        %mul3A_286 = arith.muli %add3A_284, %mul3A_285 : i32
        %dma_wait3A_287 = arith.constant 2 : i32
        %dma_wait3A_288 = arith.constant 2 : i32
        %dma_wait3A_289 = arith.constant 0 : i32
        %dma_wait3A_290 = arith.constant 0 : i32
        %dma_wait3A_291 = tpu.memref_slice %arg7[%dma_wait3A_287, %dma_wait3A_289, %dma_wait3A_290] : memref<6x128x128xf32, #tpu.memory_space<vmem>> -> memref<1x128x128xf32, #tpu.memory_space<vmem>>
        %dma_wait3A_292 = tpu.memref_squeeze %dma_wait3A_291 : memref<1x128x128xf32, #tpu.memory_space<vmem>> -> memref<128x128xf32, #tpu.memory_space<vmem>>
        %dma_wait3A_293 = arith.constant 0 : i32
        %dma_wait3A_294 = tpu.memref_slice %arg3[%mul3A_286, %dma_wait3A_293] : memref<400000x128xf32, #tpu.memory_space<hbm>> -> memref<128x128xf32, #tpu.memory_space<hbm>>
        %dma_wait3A_295 = tpu.memref_slice %arg8[%dma_wait3A_288] : memref<6x!tpu.dma_semaphore, #tpu.memory_space<semaphore_mem>> -> memref<1x!tpu.dma_semaphore, #tpu.memory_space<semaphore_mem>>
        %dma_wait3A_296 = tpu.memref_squeeze %dma_wait3A_295 : memref<1x!tpu.dma_semaphore, #tpu.memory_space<semaphore_mem>> -> memref<!tpu.dma_semaphore, #tpu.memory_space<semaphore_mem>>
        %dma_wait3A_297 = arith.constant 0 : i32
        %dma_wait3A_298 = arith.constant 0 : i32
        %dma_wait3A_299 = tpu.memref_slice %arg7[%dma_wait3A_287, %dma_wait3A_297, %dma_wait3A_298] : memref<6x128x128xf32, #tpu.memory_space<vmem>> -> memref<1x128x128xf32, #tpu.memory_space<vmem>>
        %dma_wait3A_300 = tpu.memref_squeeze %dma_wait3A_299 : memref<1x128x128xf32, #tpu.memory_space<vmem>> -> memref<128x128xf32, #tpu.memory_space<vmem>>
        %dma_wait3A_301 = arith.constant 0 : i32
        %dma_wait3A_302 = tpu.memref_slice %arg3[%mul3A_286, %dma_wait3A_301] : memref<400000x128xf32, #tpu.memory_space<hbm>> -> memref<128x128xf32, #tpu.memory_space<hbm>>
        tpu.wait_dma2 semaphore(%dma_wait3A_296 : memref<!tpu.dma_semaphore, #tpu.memory_space<semaphore_mem>>) src(%dma_wait3A_302 : memref<128x128xf32, #tpu.memory_space<hbm>>) dst(%dma_wait3A_300 : memref<128x128xf32, #tpu.memory_space<vmem>>)
        %dma_start3A = arith.constant 2 : i32
        %dma_start3A_303 = arith.constant 2 : i32
        %dma_start3A_304 = arith.constant 0 : i32
        %dma_start3A_305 = arith.constant 0 : i32
        %dma_start3A_306 = tpu.memref_slice %arg7[%dma_start3A, %dma_start3A_304, %dma_start3A_305] : memref<6x128x128xf32, #tpu.memory_space<vmem>> -> memref<1x128x128xf32, #tpu.memory_space<vmem>>
        %dma_start3A_307 = tpu.memref_squeeze %dma_start3A_306 : memref<1x128x128xf32, #tpu.memory_space<vmem>> -> memref<128x128xf32, #tpu.memory_space<vmem>>
        %dma_start3A_308 = arith.constant 0 : i32
        %dma_start3A_309 = tpu.memref_slice %arg6[%add3A_187, %dma_start3A_308] : memref<98x128xi32, #tpu.memory_space<vmem>> -> memref<1x128xi32, #tpu.memory_space<vmem>>
        %dma_start3A_310 = tpu.memref_squeeze %dma_start3A_309 : memref<1x128xi32, #tpu.memory_space<vmem>> -> memref<128xi32, #tpu.memory_space<vmem>>
        %dma_start3A_311 = arith.constant 0 : i32
        %dma_start3A_312 = arith.constant 0 : i32
        %dma_start3A_313 = tpu.memref_slice %arg2[%dma_start3A_311, %dma_start3A_312] : memref<50000x128xf32, #tpu.memory_space<hbm>> -> memref<50000x128xf32, #tpu.memory_space<hbm>>
        %dma_start3A_314 = tpu.memref_slice %arg9[%dma_start3A_303] : memref<6x!tpu.dma_semaphore, #tpu.memory_space<semaphore_mem>> -> memref<1x!tpu.dma_semaphore, #tpu.memory_space<semaphore_mem>>
        %dma_start3A_315 = tpu.memref_squeeze %dma_start3A_314 : memref<1x!tpu.dma_semaphore, #tpu.memory_space<semaphore_mem>> -> memref<!tpu.dma_semaphore, #tpu.memory_space<semaphore_mem>>
        tpu.enqueue_indirect_dma source(%dma_start3A_313 : memref<50000x128xf32, #tpu.memory_space<hbm>>) target(%dma_start3A_307 : memref<128x128xf32, #tpu.memory_space<vmem>>) offsets(%dma_start3A_310 : memref<128xi32, #tpu.memory_space<vmem>>) semaphore(%dma_start3A_315 : memref<!tpu.dma_semaphore, #tpu.memory_space<semaphore_mem>>) {add = true}
      } else {
      }
      %mul3A_209 = arith.constant 6 : i32
      %mul3A_210 = arith.muli %scan3A_136, %mul3A_209 : i32
      %add3A_211 = arith.constant 3 : i32
      %add3A_212 = arith.addi %mul3A_210, %add3A_211 : i32
      %sub3A_213 = arith.constant 2 : i32
      %sub3A_214 = arith.subi %add3A_212, %sub3A_213 : i32
      %ge3A_215 = arith.constant 0 : i32
      %ge3A_216 = arith.cmpi sge, %sub3A_214, %ge3A_215 : i32
      %sub3A_217 = arith.constant 2 : i32
      %sub3A_218 = arith.subi %add3A_212, %sub3A_217 : i32
      %lt3A_219 = arith.cmpi slt, %sub3A_218, %min3A_4 : i32
      %and3A_220 = arith.andi %ge3A_216, %lt3A_219 : i1
      %convert_element_type3A_221 = arith.extui %and3A_220 : i1 to i32
      %cond3A_222 = arith.constant 0 : i32
      %cond3A_223 = arith.cmpi ne, %convert_element_type3A_221, %cond3A_222 : i32
      scf.if %cond3A_223 {
        %sub3A_284 = arith.constant 2 : i32
        %sub3A_285 = arith.subi %add3A_212, %sub3A_284 : i32
        %dma_wait3A_286 = arith.constant 1 : i32
        %dma_wait3A_287 = arith.constant 1 : i32
        %dma_wait3A_288 = arith.constant 0 : i32
        %dma_wait3A_289 = arith.constant 0 : i32
        %dma_wait3A_290 = tpu.memref_slice %arg7[%dma_wait3A_286, %dma_wait3A_288, %dma_wait3A_289] : memref<6x128x128xf32, #tpu.memory_space<vmem>> -> memref<1x128x128xf32, #tpu.memory_space<vmem>>
        %dma_wait3A_291 = tpu.memref_squeeze %dma_wait3A_290 : memref<1x128x128xf32, #tpu.memory_space<vmem>> -> memref<128x128xf32, #tpu.memory_space<vmem>>
        %dma_wait3A_292 = arith.constant 0 : i32
        %dma_wait3A_293 = tpu.memref_slice %arg6[%sub3A_285, %dma_wait3A_292] : memref<98x128xi32, #tpu.memory_space<vmem>> -> memref<1x128xi32, #tpu.memory_space<vmem>>
        %dma_wait3A_294 = tpu.memref_squeeze %dma_wait3A_293 : memref<1x128xi32, #tpu.memory_space<vmem>> -> memref<128xi32, #tpu.memory_space<vmem>>
        %dma_wait3A_295 = arith.constant 0 : i32
        %dma_wait3A_296 = arith.constant 0 : i32
        %dma_wait3A_297 = tpu.memref_slice %arg2[%dma_wait3A_295, %dma_wait3A_296] : memref<50000x128xf32, #tpu.memory_space<hbm>> -> memref<50000x128xf32, #tpu.memory_space<hbm>>
        %dma_wait3A_298 = tpu.memref_slice %arg9[%dma_wait3A_287] : memref<6x!tpu.dma_semaphore, #tpu.memory_space<semaphore_mem>> -> memref<1x!tpu.dma_semaphore, #tpu.memory_space<semaphore_mem>>
        %dma_wait3A_299 = tpu.memref_squeeze %dma_wait3A_298 : memref<1x!tpu.dma_semaphore, #tpu.memory_space<semaphore_mem>> -> memref<!tpu.dma_semaphore, #tpu.memory_space<semaphore_mem>>
        tpu.wait_indirect_dma semaphore(%dma_wait3A_299 : memref<!tpu.dma_semaphore, #tpu.memory_space<semaphore_mem>>) src(%dma_wait3A_297 : memref<50000x128xf32, #tpu.memory_space<hbm>>) dst(%dma_wait3A_291 : memref<128x128xf32, #tpu.memory_space<vmem>>)
        %sub3A_300 = arith.constant 2 : i32
        %sub3A_301 = arith.subi %add3A_212, %sub3A_300 : i32
        %add3A_302 = arith.addi %mul3A_2, %sub3A_301 : i32
        %mul3A_303 = arith.constant 128 : i32
        %mul3A_304 = arith.muli %add3A_302, %mul3A_303 : i32
        %dma_start3A = arith.constant 1 : i32
        %dma_start3A_305 = arith.constant 1 : i32
        %dma_start3A_306 = arith.constant 0 : i32
        %dma_start3A_307 = arith.constant 0 : i32
        %dma_start3A_308 = tpu.memref_slice %arg7[%dma_start3A, %dma_start3A_306, %dma_start3A_307] : memref<6x128x128xf32, #tpu.memory_space<vmem>> -> memref<1x128x128xf32, #tpu.memory_space<vmem>>
        %dma_start3A_309 = tpu.memref_squeeze %dma_start3A_308 : memref<1x128x128xf32, #tpu.memory_space<vmem>> -> memref<128x128xf32, #tpu.memory_space<vmem>>
        %dma_start3A_310 = arith.constant 0 : i32
        %dma_start3A_311 = tpu.memref_slice %arg5[%mul3A_304, %dma_start3A_310] : memref<400000x128xf32, #tpu.memory_space<hbm>> -> memref<128x128xf32, #tpu.memory_space<hbm>>
        %dma_start3A_312 = tpu.memref_slice %arg10[%dma_start3A_305] : memref<6x!tpu.dma_semaphore, #tpu.memory_space<semaphore_mem>> -> memref<1x!tpu.dma_semaphore, #tpu.memory_space<semaphore_mem>>
        %dma_start3A_313 = tpu.memref_squeeze %dma_start3A_312 : memref<1x!tpu.dma_semaphore, #tpu.memory_space<semaphore_mem>> -> memref<!tpu.dma_semaphore, #tpu.memory_space<semaphore_mem>>
        %dma_start3A_314 = arith.constant 0 : i32
        %dma_start3A_315 = tpu.memref_slice %arg5[%mul3A_304, %dma_start3A_314] : memref<400000x128xf32, #tpu.memory_space<hbm>> -> memref<128x128xf32, #tpu.memory_space<hbm>>
        %dma_start3A_316 = arith.constant 0 : i32
        %dma_start3A_317 = arith.constant 0 : i32
        %dma_start3A_318 = tpu.memref_slice %arg7[%dma_start3A, %dma_start3A_316, %dma_start3A_317] : memref<6x128x128xf32, #tpu.memory_space<vmem>> -> memref<1x128x128xf32, #tpu.memory_space<vmem>>
        %dma_start3A_319 = tpu.memref_squeeze %dma_start3A_318 : memref<1x128x128xf32, #tpu.memory_space<vmem>> -> memref<128x128xf32, #tpu.memory_space<vmem>>
        tpu.enqueue_dma source(%dma_start3A_319 : memref<128x128xf32, #tpu.memory_space<vmem>>) target(%dma_start3A_315 : memref<128x128xf32, #tpu.memory_space<hbm>>) target_semaphore(%dma_start3A_313 : memref<!tpu.dma_semaphore, #tpu.memory_space<semaphore_mem>>)
      } else {
      }
      %add3A_224 = arith.constant 2 : i32
      %add3A_225 = arith.addi %add3A_212, %add3A_224 : i32
      %lt3A_226 = arith.cmpi slt, %add3A_225, %min3A_4 : i32
      %convert_element_type3A_227 = arith.extui %lt3A_226 : i1 to i32
      %cond3A_228 = arith.constant 0 : i32
      %cond3A_229 = arith.cmpi ne, %convert_element_type3A_227, %cond3A_228 : i32
      scf.if %cond3A_229 {
        %add3A_284 = arith.constant 2 : i32
        %add3A_285 = arith.addi %add3A_212, %add3A_284 : i32
        %sub3A_286 = arith.constant 6 : i32
        %sub3A_287 = arith.subi %add3A_285, %sub3A_286 : i32
        %ge3A_288 = arith.constant 0 : i32
        %ge3A_289 = arith.cmpi sge, %sub3A_287, %ge3A_288 : i32
        %convert_element_type3A_290 = arith.extui %ge3A_289 : i1 to i32
        %cond3A_291 = arith.constant 0 : i32
        %cond3A_292 = arith.cmpi ne, %convert_element_type3A_290, %cond3A_291 : i32
        scf.if %cond3A_292 {
          %add3A_313 = arith.constant 2 : i32
          %add3A_314 = arith.addi %add3A_212, %add3A_313 : i32
          %sub3A_315 = arith.constant 6 : i32
          %sub3A_316 = arith.subi %add3A_314, %sub3A_315 : i32
          %add3A_317 = arith.addi %mul3A_2, %sub3A_316 : i32
          %mul3A_318 = arith.constant 128 : i32
          %mul3A_319 = arith.muli %add3A_317, %mul3A_318 : i32
          %dma_wait3A_320 = arith.constant 5 : i32
          %dma_wait3A_321 = arith.constant 5 : i32
          %dma_wait3A_322 = arith.constant 0 : i32
          %dma_wait3A_323 = arith.constant 0 : i32
          %dma_wait3A_324 = tpu.memref_slice %arg7[%dma_wait3A_320, %dma_wait3A_322, %dma_wait3A_323] : memref<6x128x128xf32, #tpu.memory_space<vmem>> -> memref<1x128x128xf32, #tpu.memory_space<vmem>>
          %dma_wait3A_325 = tpu.memref_squeeze %dma_wait3A_324 : memref<1x128x128xf32, #tpu.memory_space<vmem>> -> memref<128x128xf32, #tpu.memory_space<vmem>>
          %dma_wait3A_326 = arith.constant 0 : i32
          %dma_wait3A_327 = tpu.memref_slice %arg5[%mul3A_319, %dma_wait3A_326] : memref<400000x128xf32, #tpu.memory_space<hbm>> -> memref<128x128xf32, #tpu.memory_space<hbm>>
          %dma_wait3A_328 = tpu.memref_slice %arg10[%dma_wait3A_321] : memref<6x!tpu.dma_semaphore, #tpu.memory_space<semaphore_mem>> -> memref<1x!tpu.dma_semaphore, #tpu.memory_space<semaphore_mem>>
          %dma_wait3A_329 = tpu.memref_squeeze %dma_wait3A_328 : memref<1x!tpu.dma_semaphore, #tpu.memory_space<semaphore_mem>> -> memref<!tpu.dma_semaphore, #tpu.memory_space<semaphore_mem>>
          %dma_wait3A_330 = arith.constant 0 : i32
          %dma_wait3A_331 = tpu.memref_slice %arg5[%mul3A_319, %dma_wait3A_330] : memref<400000x128xf32, #tpu.memory_space<hbm>> -> memref<128x128xf32, #tpu.memory_space<hbm>>
          %dma_wait3A_332 = arith.constant 0 : i32
          %dma_wait3A_333 = arith.constant 0 : i32
          %dma_wait3A_334 = tpu.memref_slice %arg7[%dma_wait3A_320, %dma_wait3A_332, %dma_wait3A_333] : memref<6x128x128xf32, #tpu.memory_space<vmem>> -> memref<1x128x128xf32, #tpu.memory_space<vmem>>
          %dma_wait3A_335 = tpu.memref_squeeze %dma_wait3A_334 : memref<1x128x128xf32, #tpu.memory_space<vmem>> -> memref<128x128xf32, #tpu.memory_space<vmem>>
          tpu.wait_dma2 semaphore(%dma_wait3A_329 : memref<!tpu.dma_semaphore, #tpu.memory_space<semaphore_mem>>) src(%dma_wait3A_335 : memref<128x128xf32, #tpu.memory_space<vmem>>) dst(%dma_wait3A_331 : memref<128x128xf32, #tpu.memory_space<hbm>>)
        } else {
        }
        %add3A_293 = arith.constant 2 : i32
        %add3A_294 = arith.addi %add3A_212, %add3A_293 : i32
        %add3A_295 = arith.addi %mul3A_2, %add3A_294 : i32
        %mul3A_296 = arith.constant 128 : i32
        %mul3A_297 = arith.muli %add3A_295, %mul3A_296 : i32
        %dma_start3A = arith.constant 5 : i32
        %dma_start3A_298 = arith.constant 5 : i32
        %dma_start3A_299 = arith.constant 0 : i32
        %dma_start3A_300 = arith.constant 0 : i32
        %dma_start3A_301 = tpu.memref_slice %arg7[%dma_start3A, %dma_start3A_299, %dma_start3A_300] : memref<6x128x128xf32, #tpu.memory_space<vmem>> -> memref<1x128x128xf32, #tpu.memory_space<vmem>>
        %dma_start3A_302 = tpu.memref_squeeze %dma_start3A_301 : memref<1x128x128xf32, #tpu.memory_space<vmem>> -> memref<128x128xf32, #tpu.memory_space<vmem>>
        %dma_start3A_303 = arith.constant 0 : i32
        %dma_start3A_304 = tpu.memref_slice %arg3[%mul3A_297, %dma_start3A_303] : memref<400000x128xf32, #tpu.memory_space<hbm>> -> memref<128x128xf32, #tpu.memory_space<hbm>>
        %dma_start3A_305 = tpu.memref_slice %arg8[%dma_start3A_298] : memref<6x!tpu.dma_semaphore, #tpu.memory_space<semaphore_mem>> -> memref<1x!tpu.dma_semaphore, #tpu.memory_space<semaphore_mem>>
        %dma_start3A_306 = tpu.memref_squeeze %dma_start3A_305 : memref<1x!tpu.dma_semaphore, #tpu.memory_space<semaphore_mem>> -> memref<!tpu.dma_semaphore, #tpu.memory_space<semaphore_mem>>
        %dma_start3A_307 = arith.constant 0 : i32
        %dma_start3A_308 = arith.constant 0 : i32
        %dma_start3A_309 = tpu.memref_slice %arg7[%dma_start3A, %dma_start3A_307, %dma_start3A_308] : memref<6x128x128xf32, #tpu.memory_space<vmem>> -> memref<1x128x128xf32, #tpu.memory_space<vmem>>
        %dma_start3A_310 = tpu.memref_squeeze %dma_start3A_309 : memref<1x128x128xf32, #tpu.memory_space<vmem>> -> memref<128x128xf32, #tpu.memory_space<vmem>>
        %dma_start3A_311 = arith.constant 0 : i32
        %dma_start3A_312 = tpu.memref_slice %arg3[%mul3A_297, %dma_start3A_311] : memref<400000x128xf32, #tpu.memory_space<hbm>> -> memref<128x128xf32, #tpu.memory_space<hbm>>
        tpu.enqueue_dma source(%dma_start3A_312 : memref<128x128xf32, #tpu.memory_space<hbm>>) target(%dma_start3A_310 : memref<128x128xf32, #tpu.memory_space<vmem>>) target_semaphore(%dma_start3A_306 : memref<!tpu.dma_semaphore, #tpu.memory_space<semaphore_mem>>)
      } else {
      }
      %lt3A_230 = arith.cmpi slt, %add3A_212, %min3A_4 : i32
      %convert_element_type3A_231 = arith.extui %lt3A_230 : i1 to i32
      %cond3A_232 = arith.constant 0 : i32
      %cond3A_233 = arith.cmpi ne, %convert_element_type3A_231, %cond3A_232 : i32
      scf.if %cond3A_233 {
        %add3A_284 = arith.addi %mul3A_2, %add3A_212 : i32
        %mul3A_285 = arith.constant 128 : i32
        %mul3A_286 = arith.muli %add3A_284, %mul3A_285 : i32
        %dma_wait3A_287 = arith.constant 3 : i32
        %dma_wait3A_288 = arith.constant 3 : i32
        %dma_wait3A_289 = arith.constant 0 : i32
        %dma_wait3A_290 = arith.constant 0 : i32
        %dma_wait3A_291 = tpu.memref_slice %arg7[%dma_wait3A_287, %dma_wait3A_289, %dma_wait3A_290] : memref<6x128x128xf32, #tpu.memory_space<vmem>> -> memref<1x128x128xf32, #tpu.memory_space<vmem>>
        %dma_wait3A_292 = tpu.memref_squeeze %dma_wait3A_291 : memref<1x128x128xf32, #tpu.memory_space<vmem>> -> memref<128x128xf32, #tpu.memory_space<vmem>>
        %dma_wait3A_293 = arith.constant 0 : i32
        %dma_wait3A_294 = tpu.memref_slice %arg3[%mul3A_286, %dma_wait3A_293] : memref<400000x128xf32, #tpu.memory_space<hbm>> -> memref<128x128xf32, #tpu.memory_space<hbm>>
        %dma_wait3A_295 = tpu.memref_slice %arg8[%dma_wait3A_288] : memref<6x!tpu.dma_semaphore, #tpu.memory_space<semaphore_mem>> -> memref<1x!tpu.dma_semaphore, #tpu.memory_space<semaphore_mem>>
        %dma_wait3A_296 = tpu.memref_squeeze %dma_wait3A_295 : memref<1x!tpu.dma_semaphore, #tpu.memory_space<semaphore_mem>> -> memref<!tpu.dma_semaphore, #tpu.memory_space<semaphore_mem>>
        %dma_wait3A_297 = arith.constant 0 : i32
        %dma_wait3A_298 = arith.constant 0 : i32
        %dma_wait3A_299 = tpu.memref_slice %arg7[%dma_wait3A_287, %dma_wait3A_297, %dma_wait3A_298] : memref<6x128x128xf32, #tpu.memory_space<vmem>> -> memref<1x128x128xf32, #tpu.memory_space<vmem>>
        %dma_wait3A_300 = tpu.memref_squeeze %dma_wait3A_299 : memref<1x128x128xf32, #tpu.memory_space<vmem>> -> memref<128x128xf32, #tpu.memory_space<vmem>>
        %dma_wait3A_301 = arith.constant 0 : i32
        %dma_wait3A_302 = tpu.memref_slice %arg3[%mul3A_286, %dma_wait3A_301] : memref<400000x128xf32, #tpu.memory_space<hbm>> -> memref<128x128xf32, #tpu.memory_space<hbm>>
        tpu.wait_dma2 semaphore(%dma_wait3A_296 : memref<!tpu.dma_semaphore, #tpu.memory_space<semaphore_mem>>) src(%dma_wait3A_302 : memref<128x128xf32, #tpu.memory_space<hbm>>) dst(%dma_wait3A_300 : memref<128x128xf32, #tpu.memory_space<vmem>>)
        %dma_start3A = arith.constant 3 : i32
        %dma_start3A_303 = arith.constant 3 : i32
        %dma_start3A_304 = arith.constant 0 : i32
        %dma_start3A_305 = arith.constant 0 : i32
        %dma_start3A_306 = tpu.memref_slice %arg7[%dma_start3A, %dma_start3A_304, %dma_start3A_305] : memref<6x128x128xf32, #tpu.memory_space<vmem>> -> memref<1x128x128xf32, #tpu.memory_space<vmem>>
        %dma_start3A_307 = tpu.memref_squeeze %dma_start3A_306 : memref<1x128x128xf32, #tpu.memory_space<vmem>> -> memref<128x128xf32, #tpu.memory_space<vmem>>
        %dma_start3A_308 = arith.constant 0 : i32
        %dma_start3A_309 = tpu.memref_slice %arg6[%add3A_212, %dma_start3A_308] : memref<98x128xi32, #tpu.memory_space<vmem>> -> memref<1x128xi32, #tpu.memory_space<vmem>>
        %dma_start3A_310 = tpu.memref_squeeze %dma_start3A_309 : memref<1x128xi32, #tpu.memory_space<vmem>> -> memref<128xi32, #tpu.memory_space<vmem>>
        %dma_start3A_311 = arith.constant 0 : i32
        %dma_start3A_312 = arith.constant 0 : i32
        %dma_start3A_313 = tpu.memref_slice %arg2[%dma_start3A_311, %dma_start3A_312] : memref<50000x128xf32, #tpu.memory_space<hbm>> -> memref<50000x128xf32, #tpu.memory_space<hbm>>
        %dma_start3A_314 = tpu.memref_slice %arg9[%dma_start3A_303] : memref<6x!tpu.dma_semaphore, #tpu.memory_space<semaphore_mem>> -> memref<1x!tpu.dma_semaphore, #tpu.memory_space<semaphore_mem>>
        %dma_start3A_315 = tpu.memref_squeeze %dma_start3A_314 : memref<1x!tpu.dma_semaphore, #tpu.memory_space<semaphore_mem>> -> memref<!tpu.dma_semaphore, #tpu.memory_space<semaphore_mem>>
        tpu.enqueue_indirect_dma source(%dma_start3A_313 : memref<50000x128xf32, #tpu.memory_space<hbm>>) target(%dma_start3A_307 : memref<128x128xf32, #tpu.memory_space<vmem>>) offsets(%dma_start3A_310 : memref<128xi32, #tpu.memory_space<vmem>>) semaphore(%dma_start3A_315 : memref<!tpu.dma_semaphore, #tpu.memory_space<semaphore_mem>>) {add = true}
      } else {
      }
      %mul3A_234 = arith.constant 6 : i32
      %mul3A_235 = arith.muli %scan3A_136, %mul3A_234 : i32
      %add3A_236 = arith.constant 4 : i32
      %add3A_237 = arith.addi %mul3A_235, %add3A_236 : i32
      %sub3A_238 = arith.constant 2 : i32
      %sub3A_239 = arith.subi %add3A_237, %sub3A_238 : i32
      %ge3A_240 = arith.constant 0 : i32
      %ge3A_241 = arith.cmpi sge, %sub3A_239, %ge3A_240 : i32
      %sub3A_242 = arith.constant 2 : i32
      %sub3A_243 = arith.subi %add3A_237, %sub3A_242 : i32
      %lt3A_244 = arith.cmpi slt, %sub3A_243, %min3A_4 : i32
      %and3A_245 = arith.andi %ge3A_241, %lt3A_244 : i1
      %convert_element_type3A_246 = arith.extui %and3A_245 : i1 to i32
      %cond3A_247 = arith.constant 0 : i32
      %cond3A_248 = arith.cmpi ne, %convert_element_type3A_246, %cond3A_247 : i32
      scf.if %cond3A_248 {
        %sub3A_284 = arith.constant 2 : i32
        %sub3A_285 = arith.subi %add3A_237, %sub3A_284 : i32
        %dma_wait3A_286 = arith.constant 2 : i32
        %dma_wait3A_287 = arith.constant 2 : i32
        %dma_wait3A_288 = arith.constant 0 : i32
        %dma_wait3A_289 = arith.constant 0 : i32
        %dma_wait3A_290 = tpu.memref_slice %arg7[%dma_wait3A_286, %dma_wait3A_288, %dma_wait3A_289] : memref<6x128x128xf32, #tpu.memory_space<vmem>> -> memref<1x128x128xf32, #tpu.memory_space<vmem>>
        %dma_wait3A_291 = tpu.memref_squeeze %dma_wait3A_290 : memref<1x128x128xf32, #tpu.memory_space<vmem>> -> memref<128x128xf32, #tpu.memory_space<vmem>>
        %dma_wait3A_292 = arith.constant 0 : i32
        %dma_wait3A_293 = tpu.memref_slice %arg6[%sub3A_285, %dma_wait3A_292] : memref<98x128xi32, #tpu.memory_space<vmem>> -> memref<1x128xi32, #tpu.memory_space<vmem>>
        %dma_wait3A_294 = tpu.memref_squeeze %dma_wait3A_293 : memref<1x128xi32, #tpu.memory_space<vmem>> -> memref<128xi32, #tpu.memory_space<vmem>>
        %dma_wait3A_295 = arith.constant 0 : i32
        %dma_wait3A_296 = arith.constant 0 : i32
        %dma_wait3A_297 = tpu.memref_slice %arg2[%dma_wait3A_295, %dma_wait3A_296] : memref<50000x128xf32, #tpu.memory_space<hbm>> -> memref<50000x128xf32, #tpu.memory_space<hbm>>
        %dma_wait3A_298 = tpu.memref_slice %arg9[%dma_wait3A_287] : memref<6x!tpu.dma_semaphore, #tpu.memory_space<semaphore_mem>> -> memref<1x!tpu.dma_semaphore, #tpu.memory_space<semaphore_mem>>
        %dma_wait3A_299 = tpu.memref_squeeze %dma_wait3A_298 : memref<1x!tpu.dma_semaphore, #tpu.memory_space<semaphore_mem>> -> memref<!tpu.dma_semaphore, #tpu.memory_space<semaphore_mem>>
        tpu.wait_indirect_dma semaphore(%dma_wait3A_299 : memref<!tpu.dma_semaphore, #tpu.memory_space<semaphore_mem>>) src(%dma_wait3A_297 : memref<50000x128xf32, #tpu.memory_space<hbm>>) dst(%dma_wait3A_291 : memref<128x128xf32, #tpu.memory_space<vmem>>)
        %sub3A_300 = arith.constant 2 : i32
        %sub3A_301 = arith.subi %add3A_237, %sub3A_300 : i32
        %add3A_302 = arith.addi %mul3A_2, %sub3A_301 : i32
        %mul3A_303 = arith.constant 128 : i32
        %mul3A_304 = arith.muli %add3A_302, %mul3A_303 : i32
        %dma_start3A = arith.constant 2 : i32
        %dma_start3A_305 = arith.constant 2 : i32
        %dma_start3A_306 = arith.constant 0 : i32
        %dma_start3A_307 = arith.constant 0 : i32
        %dma_start3A_308 = tpu.memref_slice %arg7[%dma_start3A, %dma_start3A_306, %dma_start3A_307] : memref<6x128x128xf32, #tpu.memory_space<vmem>> -> memref<1x128x128xf32, #tpu.memory_space<vmem>>
        %dma_start3A_309 = tpu.memref_squeeze %dma_start3A_308 : memref<1x128x128xf32, #tpu.memory_space<vmem>> -> memref<128x128xf32, #tpu.memory_space<vmem>>
        %dma_start3A_310 = arith.constant 0 : i32
        %dma_start3A_311 = tpu.memref_slice %arg5[%mul3A_304, %dma_start3A_310] : memref<400000x128xf32, #tpu.memory_space<hbm>> -> memref<128x128xf32, #tpu.memory_space<hbm>>
        %dma_start3A_312 = tpu.memref_slice %arg10[%dma_start3A_305] : memref<6x!tpu.dma_semaphore, #tpu.memory_space<semaphore_mem>> -> memref<1x!tpu.dma_semaphore, #tpu.memory_space<semaphore_mem>>
        %dma_start3A_313 = tpu.memref_squeeze %dma_start3A_312 : memref<1x!tpu.dma_semaphore, #tpu.memory_space<semaphore_mem>> -> memref<!tpu.dma_semaphore, #tpu.memory_space<semaphore_mem>>
        %dma_start3A_314 = arith.constant 0 : i32
        %dma_start3A_315 = tpu.memref_slice %arg5[%mul3A_304, %dma_start3A_314] : memref<400000x128xf32, #tpu.memory_space<hbm>> -> memref<128x128xf32, #tpu.memory_space<hbm>>
        %dma_start3A_316 = arith.constant 0 : i32
        %dma_start3A_317 = arith.constant 0 : i32
        %dma_start3A_318 = tpu.memref_slice %arg7[%dma_start3A, %dma_start3A_316, %dma_start3A_317] : memref<6x128x128xf32, #tpu.memory_space<vmem>> -> memref<1x128x128xf32, #tpu.memory_space<vmem>>
        %dma_start3A_319 = tpu.memref_squeeze %dma_start3A_318 : memref<1x128x128xf32, #tpu.memory_space<vmem>> -> memref<128x128xf32, #tpu.memory_space<vmem>>
        tpu.enqueue_dma source(%dma_start3A_319 : memref<128x128xf32, #tpu.memory_space<vmem>>) target(%dma_start3A_315 : memref<128x128xf32, #tpu.memory_space<hbm>>) target_semaphore(%dma_start3A_313 : memref<!tpu.dma_semaphore, #tpu.memory_space<semaphore_mem>>)
      } else {
      }
      %add3A_249 = arith.constant 2 : i32
      %add3A_250 = arith.addi %add3A_237, %add3A_249 : i32
      %lt3A_251 = arith.cmpi slt, %add3A_250, %min3A_4 : i32
      %convert_element_type3A_252 = arith.extui %lt3A_251 : i1 to i32
      %cond3A_253 = arith.constant 0 : i32
      %cond3A_254 = arith.cmpi ne, %convert_element_type3A_252, %cond3A_253 : i32
      scf.if %cond3A_254 {
        %add3A_284 = arith.constant 2 : i32
        %add3A_285 = arith.addi %add3A_237, %add3A_284 : i32
        %sub3A_286 = arith.constant 6 : i32
        %sub3A_287 = arith.subi %add3A_285, %sub3A_286 : i32
        %ge3A_288 = arith.constant 0 : i32
        %ge3A_289 = arith.cmpi sge, %sub3A_287, %ge3A_288 : i32
        %convert_element_type3A_290 = arith.extui %ge3A_289 : i1 to i32
        %cond3A_291 = arith.constant 0 : i32
        %cond3A_292 = arith.cmpi ne, %convert_element_type3A_290, %cond3A_291 : i32
        scf.if %cond3A_292 {
          %add3A_313 = arith.constant 2 : i32
          %add3A_314 = arith.addi %add3A_237, %add3A_313 : i32
          %sub3A_315 = arith.constant 6 : i32
          %sub3A_316 = arith.subi %add3A_314, %sub3A_315 : i32
          %add3A_317 = arith.addi %mul3A_2, %sub3A_316 : i32
          %mul3A_318 = arith.constant 128 : i32
          %mul3A_319 = arith.muli %add3A_317, %mul3A_318 : i32
          %dma_wait3A_320 = arith.constant 0 : i32
          %dma_wait3A_321 = arith.constant 0 : i32
          %dma_wait3A_322 = arith.constant 0 : i32
          %dma_wait3A_323 = arith.constant 0 : i32
          %dma_wait3A_324 = tpu.memref_slice %arg7[%dma_wait3A_320, %dma_wait3A_322, %dma_wait3A_323] : memref<6x128x128xf32, #tpu.memory_space<vmem>> -> memref<1x128x128xf32, #tpu.memory_space<vmem>>
          %dma_wait3A_325 = tpu.memref_squeeze %dma_wait3A_324 : memref<1x128x128xf32, #tpu.memory_space<vmem>> -> memref<128x128xf32, #tpu.memory_space<vmem>>
          %dma_wait3A_326 = arith.constant 0 : i32
          %dma_wait3A_327 = tpu.memref_slice %arg5[%mul3A_319, %dma_wait3A_326] : memref<400000x128xf32, #tpu.memory_space<hbm>> -> memref<128x128xf32, #tpu.memory_space<hbm>>
          %dma_wait3A_328 = tpu.memref_slice %arg10[%dma_wait3A_321] : memref<6x!tpu.dma_semaphore, #tpu.memory_space<semaphore_mem>> -> memref<1x!tpu.dma_semaphore, #tpu.memory_space<semaphore_mem>>
          %dma_wait3A_329 = tpu.memref_squeeze %dma_wait3A_328 : memref<1x!tpu.dma_semaphore, #tpu.memory_space<semaphore_mem>> -> memref<!tpu.dma_semaphore, #tpu.memory_space<semaphore_mem>>
          %dma_wait3A_330 = arith.constant 0 : i32
          %dma_wait3A_331 = tpu.memref_slice %arg5[%mul3A_319, %dma_wait3A_330] : memref<400000x128xf32, #tpu.memory_space<hbm>> -> memref<128x128xf32, #tpu.memory_space<hbm>>
          %dma_wait3A_332 = arith.constant 0 : i32
          %dma_wait3A_333 = arith.constant 0 : i32
          %dma_wait3A_334 = tpu.memref_slice %arg7[%dma_wait3A_320, %dma_wait3A_332, %dma_wait3A_333] : memref<6x128x128xf32, #tpu.memory_space<vmem>> -> memref<1x128x128xf32, #tpu.memory_space<vmem>>
          %dma_wait3A_335 = tpu.memref_squeeze %dma_wait3A_334 : memref<1x128x128xf32, #tpu.memory_space<vmem>> -> memref<128x128xf32, #tpu.memory_space<vmem>>
          tpu.wait_dma2 semaphore(%dma_wait3A_329 : memref<!tpu.dma_semaphore, #tpu.memory_space<semaphore_mem>>) src(%dma_wait3A_335 : memref<128x128xf32, #tpu.memory_space<vmem>>) dst(%dma_wait3A_331 : memref<128x128xf32, #tpu.memory_space<hbm>>)
        } else {
        }
        %add3A_293 = arith.constant 2 : i32
        %add3A_294 = arith.addi %add3A_237, %add3A_293 : i32
        %add3A_295 = arith.addi %mul3A_2, %add3A_294 : i32
        %mul3A_296 = arith.constant 128 : i32
        %mul3A_297 = arith.muli %add3A_295, %mul3A_296 : i32
        %dma_start3A = arith.constant 0 : i32
        %dma_start3A_298 = arith.constant 0 : i32
        %dma_start3A_299 = arith.constant 0 : i32
        %dma_start3A_300 = arith.constant 0 : i32
        %dma_start3A_301 = tpu.memref_slice %arg7[%dma_start3A, %dma_start3A_299, %dma_start3A_300] : memref<6x128x128xf32, #tpu.memory_space<vmem>> -> memref<1x128x128xf32, #tpu.memory_space<vmem>>
        %dma_start3A_302 = tpu.memref_squeeze %dma_start3A_301 : memref<1x128x128xf32, #tpu.memory_space<vmem>> -> memref<128x128xf32, #tpu.memory_space<vmem>>
        %dma_start3A_303 = arith.constant 0 : i32
        %dma_start3A_304 = tpu.memref_slice %arg3[%mul3A_297, %dma_start3A_303] : memref<400000x128xf32, #tpu.memory_space<hbm>> -> memref<128x128xf32, #tpu.memory_space<hbm>>
        %dma_start3A_305 = tpu.memref_slice %arg8[%dma_start3A_298] : memref<6x!tpu.dma_semaphore, #tpu.memory_space<semaphore_mem>> -> memref<1x!tpu.dma_semaphore, #tpu.memory_space<semaphore_mem>>
        %dma_start3A_306 = tpu.memref_squeeze %dma_start3A_305 : memref<1x!tpu.dma_semaphore, #tpu.memory_space<semaphore_mem>> -> memref<!tpu.dma_semaphore, #tpu.memory_space<semaphore_mem>>
        %dma_start3A_307 = arith.constant 0 : i32
        %dma_start3A_308 = arith.constant 0 : i32
        %dma_start3A_309 = tpu.memref_slice %arg7[%dma_start3A, %dma_start3A_307, %dma_start3A_308] : memref<6x128x128xf32, #tpu.memory_space<vmem>> -> memref<1x128x128xf32, #tpu.memory_space<vmem>>
        %dma_start3A_310 = tpu.memref_squeeze %dma_start3A_309 : memref<1x128x128xf32, #tpu.memory_space<vmem>> -> memref<128x128xf32, #tpu.memory_space<vmem>>
        %dma_start3A_311 = arith.constant 0 : i32
        %dma_start3A_312 = tpu.memref_slice %arg3[%mul3A_297, %dma_start3A_311] : memref<400000x128xf32, #tpu.memory_space<hbm>> -> memref<128x128xf32, #tpu.memory_space<hbm>>
        tpu.enqueue_dma source(%dma_start3A_312 : memref<128x128xf32, #tpu.memory_space<hbm>>) target(%dma_start3A_310 : memref<128x128xf32, #tpu.memory_space<vmem>>) target_semaphore(%dma_start3A_306 : memref<!tpu.dma_semaphore, #tpu.memory_space<semaphore_mem>>)
      } else {
      }
      %lt3A_255 = arith.cmpi slt, %add3A_237, %min3A_4 : i32
      %convert_element_type3A_256 = arith.extui %lt3A_255 : i1 to i32
      %cond3A_257 = arith.constant 0 : i32
      %cond3A_258 = arith.cmpi ne, %convert_element_type3A_256, %cond3A_257 : i32
      scf.if %cond3A_258 {
        %add3A_284 = arith.addi %mul3A_2, %add3A_237 : i32
        %mul3A_285 = arith.constant 128 : i32
        %mul3A_286 = arith.muli %add3A_284, %mul3A_285 : i32
        %dma_wait3A_287 = arith.constant 4 : i32
        %dma_wait3A_288 = arith.constant 4 : i32
        %dma_wait3A_289 = arith.constant 0 : i32
        %dma_wait3A_290 = arith.constant 0 : i32
        %dma_wait3A_291 = tpu.memref_slice %arg7[%dma_wait3A_287, %dma_wait3A_289, %dma_wait3A_290] : memref<6x128x128xf32, #tpu.memory_space<vmem>> -> memref<1x128x128xf32, #tpu.memory_space<vmem>>
        %dma_wait3A_292 = tpu.memref_squeeze %dma_wait3A_291 : memref<1x128x128xf32, #tpu.memory_space<vmem>> -> memref<128x128xf32, #tpu.memory_space<vmem>>
        %dma_wait3A_293 = arith.constant 0 : i32
        %dma_wait3A_294 = tpu.memref_slice %arg3[%mul3A_286, %dma_wait3A_293] : memref<400000x128xf32, #tpu.memory_space<hbm>> -> memref<128x128xf32, #tpu.memory_space<hbm>>
        %dma_wait3A_295 = tpu.memref_slice %arg8[%dma_wait3A_288] : memref<6x!tpu.dma_semaphore, #tpu.memory_space<semaphore_mem>> -> memref<1x!tpu.dma_semaphore, #tpu.memory_space<semaphore_mem>>
        %dma_wait3A_296 = tpu.memref_squeeze %dma_wait3A_295 : memref<1x!tpu.dma_semaphore, #tpu.memory_space<semaphore_mem>> -> memref<!tpu.dma_semaphore, #tpu.memory_space<semaphore_mem>>
        %dma_wait3A_297 = arith.constant 0 : i32
        %dma_wait3A_298 = arith.constant 0 : i32
        %dma_wait3A_299 = tpu.memref_slice %arg7[%dma_wait3A_287, %dma_wait3A_297, %dma_wait3A_298] : memref<6x128x128xf32, #tpu.memory_space<vmem>> -> memref<1x128x128xf32, #tpu.memory_space<vmem>>
        %dma_wait3A_300 = tpu.memref_squeeze %dma_wait3A_299 : memref<1x128x128xf32, #tpu.memory_space<vmem>> -> memref<128x128xf32, #tpu.memory_space<vmem>>
        %dma_wait3A_301 = arith.constant 0 : i32
        %dma_wait3A_302 = tpu.memref_slice %arg3[%mul3A_286, %dma_wait3A_301] : memref<400000x128xf32, #tpu.memory_space<hbm>> -> memref<128x128xf32, #tpu.memory_space<hbm>>
        tpu.wait_dma2 semaphore(%dma_wait3A_296 : memref<!tpu.dma_semaphore, #tpu.memory_space<semaphore_mem>>) src(%dma_wait3A_302 : memref<128x128xf32, #tpu.memory_space<hbm>>) dst(%dma_wait3A_300 : memref<128x128xf32, #tpu.memory_space<vmem>>)
        %dma_start3A = arith.constant 4 : i32
        %dma_start3A_303 = arith.constant 4 : i32
        %dma_start3A_304 = arith.constant 0 : i32
        %dma_start3A_305 = arith.constant 0 : i32
        %dma_start3A_306 = tpu.memref_slice %arg7[%dma_start3A, %dma_start3A_304, %dma_start3A_305] : memref<6x128x128xf32, #tpu.memory_space<vmem>> -> memref<1x128x128xf32, #tpu.memory_space<vmem>>
        %dma_start3A_307 = tpu.memref_squeeze %dma_start3A_306 : memref<1x128x128xf32, #tpu.memory_space<vmem>> -> memref<128x128xf32, #tpu.memory_space<vmem>>
        %dma_start3A_308 = arith.constant 0 : i32
        %dma_start3A_309 = tpu.memref_slice %arg6[%add3A_237, %dma_start3A_308] : memref<98x128xi32, #tpu.memory_space<vmem>> -> memref<1x128xi32, #tpu.memory_space<vmem>>
        %dma_start3A_310 = tpu.memref_squeeze %dma_start3A_309 : memref<1x128xi32, #tpu.memory_space<vmem>> -> memref<128xi32, #tpu.memory_space<vmem>>
        %dma_start3A_311 = arith.constant 0 : i32
        %dma_start3A_312 = arith.constant 0 : i32
        %dma_start3A_313 = tpu.memref_slice %arg2[%dma_start3A_311, %dma_start3A_312] : memref<50000x128xf32, #tpu.memory_space<hbm>> -> memref<50000x128xf32, #tpu.memory_space<hbm>>
        %dma_start3A_314 = tpu.memref_slice %arg9[%dma_start3A_303] : memref<6x!tpu.dma_semaphore, #tpu.memory_space<semaphore_mem>> -> memref<1x!tpu.dma_semaphore, #tpu.memory_space<semaphore_mem>>
        %dma_start3A_315 = tpu.memref_squeeze %dma_start3A_314 : memref<1x!tpu.dma_semaphore, #tpu.memory_space<semaphore_mem>> -> memref<!tpu.dma_semaphore, #tpu.memory_space<semaphore_mem>>
        tpu.enqueue_indirect_dma source(%dma_start3A_313 : memref<50000x128xf32, #tpu.memory_space<hbm>>) target(%dma_start3A_307 : memref<128x128xf32, #tpu.memory_space<vmem>>) offsets(%dma_start3A_310 : memref<128xi32, #tpu.memory_space<vmem>>) semaphore(%dma_start3A_315 : memref<!tpu.dma_semaphore, #tpu.memory_space<semaphore_mem>>) {add = true}
      } else {
      }
      %mul3A_259 = arith.constant 6 : i32
      %mul3A_260 = arith.muli %scan3A_136, %mul3A_259 : i32
      %add3A_261 = arith.constant 5 : i32
      %add3A_262 = arith.addi %mul3A_260, %add3A_261 : i32
      %sub3A_263 = arith.constant 2 : i32
      %sub3A_264 = arith.subi %add3A_262, %sub3A_263 : i32
      %ge3A_265 = arith.constant 0 : i32
      %ge3A_266 = arith.cmpi sge, %sub3A_264, %ge3A_265 : i32
      %sub3A_267 = arith.constant 2 : i32
      %sub3A_268 = arith.subi %add3A_262, %sub3A_267 : i32
      %lt3A_269 = arith.cmpi slt, %sub3A_268, %min3A_4 : i32
      %and3A_270 = arith.andi %ge3A_266, %lt3A_269 : i1
      %convert_element_type3A_271 = arith.extui %and3A_270 : i1 to i32
      %cond3A_272 = arith.constant 0 : i32
      %cond3A_273 = arith.cmpi ne, %convert_element_type3A_271, %cond3A_272 : i32
      scf.if %cond3A_273 {
        %sub3A_284 = arith.constant 2 : i32
        %sub3A_285 = arith.subi %add3A_262, %sub3A_284 : i32
        %dma_wait3A_286 = arith.constant 3 : i32
        %dma_wait3A_287 = arith.constant 3 : i32
        %dma_wait3A_288 = arith.constant 0 : i32
        %dma_wait3A_289 = arith.constant 0 : i32
        %dma_wait3A_290 = tpu.memref_slice %arg7[%dma_wait3A_286, %dma_wait3A_288, %dma_wait3A_289] : memref<6x128x128xf32, #tpu.memory_space<vmem>> -> memref<1x128x128xf32, #tpu.memory_space<vmem>>
        %dma_wait3A_291 = tpu.memref_squeeze %dma_wait3A_290 : memref<1x128x128xf32, #tpu.memory_space<vmem>> -> memref<128x128xf32, #tpu.memory_space<vmem>>
        %dma_wait3A_292 = arith.constant 0 : i32
        %dma_wait3A_293 = tpu.memref_slice %arg6[%sub3A_285, %dma_wait3A_292] : memref<98x128xi32, #tpu.memory_space<vmem>> -> memref<1x128xi32, #tpu.memory_space<vmem>>
        %dma_wait3A_294 = tpu.memref_squeeze %dma_wait3A_293 : memref<1x128xi32, #tpu.memory_space<vmem>> -> memref<128xi32, #tpu.memory_space<vmem>>
        %dma_wait3A_295 = arith.constant 0 : i32
        %dma_wait3A_296 = arith.constant 0 : i32
        %dma_wait3A_297 = tpu.memref_slice %arg2[%dma_wait3A_295, %dma_wait3A_296] : memref<50000x128xf32, #tpu.memory_space<hbm>> -> memref<50000x128xf32, #tpu.memory_space<hbm>>
        %dma_wait3A_298 = tpu.memref_slice %arg9[%dma_wait3A_287] : memref<6x!tpu.dma_semaphore, #tpu.memory_space<semaphore_mem>> -> memref<1x!tpu.dma_semaphore, #tpu.memory_space<semaphore_mem>>
        %dma_wait3A_299 = tpu.memref_squeeze %dma_wait3A_298 : memref<1x!tpu.dma_semaphore, #tpu.memory_space<semaphore_mem>> -> memref<!tpu.dma_semaphore, #tpu.memory_space<semaphore_mem>>
        tpu.wait_indirect_dma semaphore(%dma_wait3A_299 : memref<!tpu.dma_semaphore, #tpu.memory_space<semaphore_mem>>) src(%dma_wait3A_297 : memref<50000x128xf32, #tpu.memory_space<hbm>>) dst(%dma_wait3A_291 : memref<128x128xf32, #tpu.memory_space<vmem>>)
        %sub3A_300 = arith.constant 2 : i32
        %sub3A_301 = arith.subi %add3A_262, %sub3A_300 : i32
        %add3A_302 = arith.addi %mul3A_2, %sub3A_301 : i32
        %mul3A_303 = arith.constant 128 : i32
        %mul3A_304 = arith.muli %add3A_302, %mul3A_303 : i32
        %dma_start3A = arith.constant 3 : i32
        %dma_start3A_305 = arith.constant 3 : i32
        %dma_start3A_306 = arith.constant 0 : i32
        %dma_start3A_307 = arith.constant 0 : i32
        %dma_start3A_308 = tpu.memref_slice %arg7[%dma_start3A, %dma_start3A_306, %dma_start3A_307] : memref<6x128x128xf32, #tpu.memory_space<vmem>> -> memref<1x128x128xf32, #tpu.memory_space<vmem>>
        %dma_start3A_309 = tpu.memref_squeeze %dma_start3A_308 : memref<1x128x128xf32, #tpu.memory_space<vmem>> -> memref<128x128xf32, #tpu.memory_space<vmem>>
        %dma_start3A_310 = arith.constant 0 : i32
        %dma_start3A_311 = tpu.memref_slice %arg5[%mul3A_304, %dma_start3A_310] : memref<400000x128xf32, #tpu.memory_space<hbm>> -> memref<128x128xf32, #tpu.memory_space<hbm>>
        %dma_start3A_312 = tpu.memref_slice %arg10[%dma_start3A_305] : memref<6x!tpu.dma_semaphore, #tpu.memory_space<semaphore_mem>> -> memref<1x!tpu.dma_semaphore, #tpu.memory_space<semaphore_mem>>
        %dma_start3A_313 = tpu.memref_squeeze %dma_start3A_312 : memref<1x!tpu.dma_semaphore, #tpu.memory_space<semaphore_mem>> -> memref<!tpu.dma_semaphore, #tpu.memory_space<semaphore_mem>>
        %dma_start3A_314 = arith.constant 0 : i32
        %dma_start3A_315 = tpu.memref_slice %arg5[%mul3A_304, %dma_start3A_314] : memref<400000x128xf32, #tpu.memory_space<hbm>> -> memref<128x128xf32, #tpu.memory_space<hbm>>
        %dma_start3A_316 = arith.constant 0 : i32
        %dma_start3A_317 = arith.constant 0 : i32
        %dma_start3A_318 = tpu.memref_slice %arg7[%dma_start3A, %dma_start3A_316, %dma_start3A_317] : memref<6x128x128xf32, #tpu.memory_space<vmem>> -> memref<1x128x128xf32, #tpu.memory_space<vmem>>
        %dma_start3A_319 = tpu.memref_squeeze %dma_start3A_318 : memref<1x128x128xf32, #tpu.memory_space<vmem>> -> memref<128x128xf32, #tpu.memory_space<vmem>>
        tpu.enqueue_dma source(%dma_start3A_319 : memref<128x128xf32, #tpu.memory_space<vmem>>) target(%dma_start3A_315 : memref<128x128xf32, #tpu.memory_space<hbm>>) target_semaphore(%dma_start3A_313 : memref<!tpu.dma_semaphore, #tpu.memory_space<semaphore_mem>>)
      } else {
      }
      %add3A_274 = arith.constant 2 : i32
      %add3A_275 = arith.addi %add3A_262, %add3A_274 : i32
      %lt3A_276 = arith.cmpi slt, %add3A_275, %min3A_4 : i32
      %convert_element_type3A_277 = arith.extui %lt3A_276 : i1 to i32
      %cond3A_278 = arith.constant 0 : i32
      %cond3A_279 = arith.cmpi ne, %convert_element_type3A_277, %cond3A_278 : i32
      scf.if %cond3A_279 {
        %add3A_284 = arith.constant 2 : i32
        %add3A_285 = arith.addi %add3A_262, %add3A_284 : i32
        %sub3A_286 = arith.constant 6 : i32
        %sub3A_287 = arith.subi %add3A_285, %sub3A_286 : i32
        %ge3A_288 = arith.constant 0 : i32
        %ge3A_289 = arith.cmpi sge, %sub3A_287, %ge3A_288 : i32
        %convert_element_type3A_290 = arith.extui %ge3A_289 : i1 to i32
        %cond3A_291 = arith.constant 0 : i32
        %cond3A_292 = arith.cmpi ne, %convert_element_type3A_290, %cond3A_291 : i32
        scf.if %cond3A_292 {
          %add3A_313 = arith.constant 2 : i32
          %add3A_314 = arith.addi %add3A_262, %add3A_313 : i32
          %sub3A_315 = arith.constant 6 : i32
          %sub3A_316 = arith.subi %add3A_314, %sub3A_315 : i32
          %add3A_317 = arith.addi %mul3A_2, %sub3A_316 : i32
          %mul3A_318 = arith.constant 128 : i32
          %mul3A_319 = arith.muli %add3A_317, %mul3A_318 : i32
          %dma_wait3A_320 = arith.constant 1 : i32
          %dma_wait3A_321 = arith.constant 1 : i32
          %dma_wait3A_322 = arith.constant 0 : i32
          %dma_wait3A_323 = arith.constant 0 : i32
          %dma_wait3A_324 = tpu.memref_slice %arg7[%dma_wait3A_320, %dma_wait3A_322, %dma_wait3A_323] : memref<6x128x128xf32, #tpu.memory_space<vmem>> -> memref<1x128x128xf32, #tpu.memory_space<vmem>>
          %dma_wait3A_325 = tpu.memref_squeeze %dma_wait3A_324 : memref<1x128x128xf32, #tpu.memory_space<vmem>> -> memref<128x128xf32, #tpu.memory_space<vmem>>
          %dma_wait3A_326 = arith.constant 0 : i32
          %dma_wait3A_327 = tpu.memref_slice %arg5[%mul3A_319, %dma_wait3A_326] : memref<400000x128xf32, #tpu.memory_space<hbm>> -> memref<128x128xf32, #tpu.memory_space<hbm>>
          %dma_wait3A_328 = tpu.memref_slice %arg10[%dma_wait3A_321] : memref<6x!tpu.dma_semaphore, #tpu.memory_space<semaphore_mem>> -> memref<1x!tpu.dma_semaphore, #tpu.memory_space<semaphore_mem>>
          %dma_wait3A_329 = tpu.memref_squeeze %dma_wait3A_328 : memref<1x!tpu.dma_semaphore, #tpu.memory_space<semaphore_mem>> -> memref<!tpu.dma_semaphore, #tpu.memory_space<semaphore_mem>>
          %dma_wait3A_330 = arith.constant 0 : i32
          %dma_wait3A_331 = tpu.memref_slice %arg5[%mul3A_319, %dma_wait3A_330] : memref<400000x128xf32, #tpu.memory_space<hbm>> -> memref<128x128xf32, #tpu.memory_space<hbm>>
          %dma_wait3A_332 = arith.constant 0 : i32
          %dma_wait3A_333 = arith.constant 0 : i32
          %dma_wait3A_334 = tpu.memref_slice %arg7[%dma_wait3A_320, %dma_wait3A_332, %dma_wait3A_333] : memref<6x128x128xf32, #tpu.memory_space<vmem>> -> memref<1x128x128xf32, #tpu.memory_space<vmem>>
          %dma_wait3A_335 = tpu.memref_squeeze %dma_wait3A_334 : memref<1x128x128xf32, #tpu.memory_space<vmem>> -> memref<128x128xf32, #tpu.memory_space<vmem>>
          tpu.wait_dma2 semaphore(%dma_wait3A_329 : memref<!tpu.dma_semaphore, #tpu.memory_space<semaphore_mem>>) src(%dma_wait3A_335 : memref<128x128xf32, #tpu.memory_space<vmem>>) dst(%dma_wait3A_331 : memref<128x128xf32, #tpu.memory_space<hbm>>)
        } else {
        }
        %add3A_293 = arith.constant 2 : i32
        %add3A_294 = arith.addi %add3A_262, %add3A_293 : i32
        %add3A_295 = arith.addi %mul3A_2, %add3A_294 : i32
        %mul3A_296 = arith.constant 128 : i32
        %mul3A_297 = arith.muli %add3A_295, %mul3A_296 : i32
        %dma_start3A = arith.constant 1 : i32
        %dma_start3A_298 = arith.constant 1 : i32
        %dma_start3A_299 = arith.constant 0 : i32
        %dma_start3A_300 = arith.constant 0 : i32
        %dma_start3A_301 = tpu.memref_slice %arg7[%dma_start3A, %dma_start3A_299, %dma_start3A_300] : memref<6x128x128xf32, #tpu.memory_space<vmem>> -> memref<1x128x128xf32, #tpu.memory_space<vmem>>
        %dma_start3A_302 = tpu.memref_squeeze %dma_start3A_301 : memref<1x128x128xf32, #tpu.memory_space<vmem>> -> memref<128x128xf32, #tpu.memory_space<vmem>>
        %dma_start3A_303 = arith.constant 0 : i32
        %dma_start3A_304 = tpu.memref_slice %arg3[%mul3A_297, %dma_start3A_303] : memref<400000x128xf32, #tpu.memory_space<hbm>> -> memref<128x128xf32, #tpu.memory_space<hbm>>
        %dma_start3A_305 = tpu.memref_slice %arg8[%dma_start3A_298] : memref<6x!tpu.dma_semaphore, #tpu.memory_space<semaphore_mem>> -> memref<1x!tpu.dma_semaphore, #tpu.memory_space<semaphore_mem>>
        %dma_start3A_306 = tpu.memref_squeeze %dma_start3A_305 : memref<1x!tpu.dma_semaphore, #tpu.memory_space<semaphore_mem>> -> memref<!tpu.dma_semaphore, #tpu.memory_space<semaphore_mem>>
        %dma_start3A_307 = arith.constant 0 : i32
        %dma_start3A_308 = arith.constant 0 : i32
        %dma_start3A_309 = tpu.memref_slice %arg7[%dma_start3A, %dma_start3A_307, %dma_start3A_308] : memref<6x128x128xf32, #tpu.memory_space<vmem>> -> memref<1x128x128xf32, #tpu.memory_space<vmem>>
        %dma_start3A_310 = tpu.memref_squeeze %dma_start3A_309 : memref<1x128x128xf32, #tpu.memory_space<vmem>> -> memref<128x128xf32, #tpu.memory_space<vmem>>
        %dma_start3A_311 = arith.constant 0 : i32
        %dma_start3A_312 = tpu.memref_slice %arg3[%mul3A_297, %dma_start3A_311] : memref<400000x128xf32, #tpu.memory_space<hbm>> -> memref<128x128xf32, #tpu.memory_space<hbm>>
        tpu.enqueue_dma source(%dma_start3A_312 : memref<128x128xf32, #tpu.memory_space<hbm>>) target(%dma_start3A_310 : memref<128x128xf32, #tpu.memory_space<vmem>>) target_semaphore(%dma_start3A_306 : memref<!tpu.dma_semaphore, #tpu.memory_space<semaphore_mem>>)
      } else {
      }
      %lt3A_280 = arith.cmpi slt, %add3A_262, %min3A_4 : i32
      %convert_element_type3A_281 = arith.extui %lt3A_280 : i1 to i32
      %cond3A_282 = arith.constant 0 : i32
      %cond3A_283 = arith.cmpi ne, %convert_element_type3A_281, %cond3A_282 : i32
      scf.if %cond3A_283 {
        %add3A_284 = arith.addi %mul3A_2, %add3A_262 : i32
        %mul3A_285 = arith.constant 128 : i32
        %mul3A_286 = arith.muli %add3A_284, %mul3A_285 : i32
        %dma_wait3A_287 = arith.constant 5 : i32
        %dma_wait3A_288 = arith.constant 5 : i32
        %dma_wait3A_289 = arith.constant 0 : i32
        %dma_wait3A_290 = arith.constant 0 : i32
        %dma_wait3A_291 = tpu.memref_slice %arg7[%dma_wait3A_287, %dma_wait3A_289, %dma_wait3A_290] : memref<6x128x128xf32, #tpu.memory_space<vmem>> -> memref<1x128x128xf32, #tpu.memory_space<vmem>>
        %dma_wait3A_292 = tpu.memref_squeeze %dma_wait3A_291 : memref<1x128x128xf32, #tpu.memory_space<vmem>> -> memref<128x128xf32, #tpu.memory_space<vmem>>
        %dma_wait3A_293 = arith.constant 0 : i32
        %dma_wait3A_294 = tpu.memref_slice %arg3[%mul3A_286, %dma_wait3A_293] : memref<400000x128xf32, #tpu.memory_space<hbm>> -> memref<128x128xf32, #tpu.memory_space<hbm>>
        %dma_wait3A_295 = tpu.memref_slice %arg8[%dma_wait3A_288] : memref<6x!tpu.dma_semaphore, #tpu.memory_space<semaphore_mem>> -> memref<1x!tpu.dma_semaphore, #tpu.memory_space<semaphore_mem>>
        %dma_wait3A_296 = tpu.memref_squeeze %dma_wait3A_295 : memref<1x!tpu.dma_semaphore, #tpu.memory_space<semaphore_mem>> -> memref<!tpu.dma_semaphore, #tpu.memory_space<semaphore_mem>>
        %dma_wait3A_297 = arith.constant 0 : i32
        %dma_wait3A_298 = arith.constant 0 : i32
        %dma_wait3A_299 = tpu.memref_slice %arg7[%dma_wait3A_287, %dma_wait3A_297, %dma_wait3A_298] : memref<6x128x128xf32, #tpu.memory_space<vmem>> -> memref<1x128x128xf32, #tpu.memory_space<vmem>>
        %dma_wait3A_300 = tpu.memref_squeeze %dma_wait3A_299 : memref<1x128x128xf32, #tpu.memory_space<vmem>> -> memref<128x128xf32, #tpu.memory_space<vmem>>
        %dma_wait3A_301 = arith.constant 0 : i32
        %dma_wait3A_302 = tpu.memref_slice %arg3[%mul3A_286, %dma_wait3A_301] : memref<400000x128xf32, #tpu.memory_space<hbm>> -> memref<128x128xf32, #tpu.memory_space<hbm>>
        tpu.wait_dma2 semaphore(%dma_wait3A_296 : memref<!tpu.dma_semaphore, #tpu.memory_space<semaphore_mem>>) src(%dma_wait3A_302 : memref<128x128xf32, #tpu.memory_space<hbm>>) dst(%dma_wait3A_300 : memref<128x128xf32, #tpu.memory_space<vmem>>)
        %dma_start3A = arith.constant 5 : i32
        %dma_start3A_303 = arith.constant 5 : i32
        %dma_start3A_304 = arith.constant 0 : i32
        %dma_start3A_305 = arith.constant 0 : i32
        %dma_start3A_306 = tpu.memref_slice %arg7[%dma_start3A, %dma_start3A_304, %dma_start3A_305] : memref<6x128x128xf32, #tpu.memory_space<vmem>> -> memref<1x128x128xf32, #tpu.memory_space<vmem>>
        %dma_start3A_307 = tpu.memref_squeeze %dma_start3A_306 : memref<1x128x128xf32, #tpu.memory_space<vmem>> -> memref<128x128xf32, #tpu.memory_space<vmem>>
        %dma_start3A_308 = arith.constant 0 : i32
        %dma_start3A_309 = tpu.memref_slice %arg6[%add3A_262, %dma_start3A_308] : memref<98x128xi32, #tpu.memory_space<vmem>> -> memref<1x128xi32, #tpu.memory_space<vmem>>
        %dma_start3A_310 = tpu.memref_squeeze %dma_start3A_309 : memref<1x128xi32, #tpu.memory_space<vmem>> -> memref<128xi32, #tpu.memory_space<vmem>>
        %dma_start3A_311 = arith.constant 0 : i32
        %dma_start3A_312 = arith.constant 0 : i32
        %dma_start3A_313 = tpu.memref_slice %arg2[%dma_start3A_311, %dma_start3A_312] : memref<50000x128xf32, #tpu.memory_space<hbm>> -> memref<50000x128xf32, #tpu.memory_space<hbm>>
        %dma_start3A_314 = tpu.memref_slice %arg9[%dma_start3A_303] : memref<6x!tpu.dma_semaphore, #tpu.memory_space<semaphore_mem>> -> memref<1x!tpu.dma_semaphore, #tpu.memory_space<semaphore_mem>>
        %dma_start3A_315 = tpu.memref_squeeze %dma_start3A_314 : memref<1x!tpu.dma_semaphore, #tpu.memory_space<semaphore_mem>> -> memref<!tpu.dma_semaphore, #tpu.memory_space<semaphore_mem>>
        tpu.enqueue_indirect_dma source(%dma_start3A_313 : memref<50000x128xf32, #tpu.memory_space<hbm>>) target(%dma_start3A_307 : memref<128x128xf32, #tpu.memory_space<vmem>>) offsets(%dma_start3A_310 : memref<128xi32, #tpu.memory_space<vmem>>) semaphore(%dma_start3A_315 : memref<!tpu.dma_semaphore, #tpu.memory_space<semaphore_mem>>) {add = true}
      } else {
      }
    }
    %scan3A_16 = arith.constant 17 : i32
    %add3A_17 = arith.constant 0 : i32
    %add3A_18 = arith.addi %mul3A_2, %add3A_17 : i32
    %mul3A_19 = arith.constant 128 : i32
    %mul3A_20 = arith.muli %add3A_18, %mul3A_19 : i32
    %dma_wait3A = arith.constant 0 : i32
    %dma_wait3A_21 = arith.constant 0 : i32
    %dma_wait3A_22 = arith.constant 0 : i32
    %dma_wait3A_23 = arith.constant 0 : i32
    %dma_wait3A_24 = tpu.memref_slice %arg7[%dma_wait3A, %dma_wait3A_22, %dma_wait3A_23] : memref<6x128x128xf32, #tpu.memory_space<vmem>> -> memref<1x128x128xf32, #tpu.memory_space<vmem>>
    %dma_wait3A_25 = tpu.memref_squeeze %dma_wait3A_24 : memref<1x128x128xf32, #tpu.memory_space<vmem>> -> memref<128x128xf32, #tpu.memory_space<vmem>>
    %dma_wait3A_26 = arith.constant 0 : i32
    %dma_wait3A_27 = tpu.memref_slice %arg5[%mul3A_20, %dma_wait3A_26] : memref<400000x128xf32, #tpu.memory_space<hbm>> -> memref<128x128xf32, #tpu.memory_space<hbm>>
    %dma_wait3A_28 = tpu.memref_slice %arg10[%dma_wait3A_21] : memref<6x!tpu.dma_semaphore, #tpu.memory_space<semaphore_mem>> -> memref<1x!tpu.dma_semaphore, #tpu.memory_space<semaphore_mem>>
    %dma_wait3A_29 = tpu.memref_squeeze %dma_wait3A_28 : memref<1x!tpu.dma_semaphore, #tpu.memory_space<semaphore_mem>> -> memref<!tpu.dma_semaphore, #tpu.memory_space<semaphore_mem>>
    %dma_wait3A_30 = arith.constant 0 : i32
    %dma_wait3A_31 = tpu.memref_slice %arg5[%mul3A_20, %dma_wait3A_30] : memref<400000x128xf32, #tpu.memory_space<hbm>> -> memref<128x128xf32, #tpu.memory_space<hbm>>
    %dma_wait3A_32 = arith.constant 0 : i32
    %dma_wait3A_33 = arith.constant 0 : i32
    %dma_wait3A_34 = tpu.memref_slice %arg7[%dma_wait3A, %dma_wait3A_32, %dma_wait3A_33] : memref<6x128x128xf32, #tpu.memory_space<vmem>> -> memref<1x128x128xf32, #tpu.memory_space<vmem>>
    %dma_wait3A_35 = tpu.memref_squeeze %dma_wait3A_34 : memref<1x128x128xf32, #tpu.memory_space<vmem>> -> memref<128x128xf32, #tpu.memory_space<vmem>>
    tpu.wait_dma2 semaphore(%dma_wait3A_29 : memref<!tpu.dma_semaphore, #tpu.memory_space<semaphore_mem>>) src(%dma_wait3A_35 : memref<128x128xf32, #tpu.memory_space<vmem>>) dst(%dma_wait3A_31 : memref<128x128xf32, #tpu.memory_space<hbm>>)
    %add3A_36 = arith.constant 0 : i32
    %add3A_37 = arith.addi %mul3A_2, %add3A_36 : i32
    %mul3A_38 = arith.constant 128 : i32
    %mul3A_39 = arith.muli %add3A_37, %mul3A_38 : i32
    %dma_wait3A_40 = arith.constant 1 : i32
    %dma_wait3A_41 = arith.constant 1 : i32
    %dma_wait3A_42 = arith.constant 0 : i32
    %dma_wait3A_43 = arith.constant 0 : i32
    %dma_wait3A_44 = tpu.memref_slice %arg7[%dma_wait3A_40, %dma_wait3A_42, %dma_wait3A_43] : memref<6x128x128xf32, #tpu.memory_space<vmem>> -> memref<1x128x128xf32, #tpu.memory_space<vmem>>
    %dma_wait3A_45 = tpu.memref_squeeze %dma_wait3A_44 : memref<1x128x128xf32, #tpu.memory_space<vmem>> -> memref<128x128xf32, #tpu.memory_space<vmem>>
    %dma_wait3A_46 = arith.constant 0 : i32
    %dma_wait3A_47 = tpu.memref_slice %arg5[%mul3A_39, %dma_wait3A_46] : memref<400000x128xf32, #tpu.memory_space<hbm>> -> memref<128x128xf32, #tpu.memory_space<hbm>>
    %dma_wait3A_48 = tpu.memref_slice %arg10[%dma_wait3A_41] : memref<6x!tpu.dma_semaphore, #tpu.memory_space<semaphore_mem>> -> memref<1x!tpu.dma_semaphore, #tpu.memory_space<semaphore_mem>>
    %dma_wait3A_49 = tpu.memref_squeeze %dma_wait3A_48 : memref<1x!tpu.dma_semaphore, #tpu.memory_space<semaphore_mem>> -> memref<!tpu.dma_semaphore, #tpu.memory_space<semaphore_mem>>
    %dma_wait3A_50 = arith.constant 0 : i32
    %dma_wait3A_51 = tpu.memref_slice %arg5[%mul3A_39, %dma_wait3A_50] : memref<400000x128xf32, #tpu.memory_space<hbm>> -> memref<128x128xf32, #tpu.memory_space<hbm>>
    %dma_wait3A_52 = arith.constant 0 : i32
    %dma_wait3A_53 = arith.constant 0 : i32
    %dma_wait3A_54 = tpu.memref_slice %arg7[%dma_wait3A_40, %dma_wait3A_52, %dma_wait3A_53] : memref<6x128x128xf32, #tpu.memory_space<vmem>> -> memref<1x128x128xf32, #tpu.memory_space<vmem>>
    %dma_wait3A_55 = tpu.memref_squeeze %dma_wait3A_54 : memref<1x128x128xf32, #tpu.memory_space<vmem>> -> memref<128x128xf32, #tpu.memory_space<vmem>>
    tpu.wait_dma2 semaphore(%dma_wait3A_49 : memref<!tpu.dma_semaphore, #tpu.memory_space<semaphore_mem>>) src(%dma_wait3A_55 : memref<128x128xf32, #tpu.memory_space<vmem>>) dst(%dma_wait3A_51 : memref<128x128xf32, #tpu.memory_space<hbm>>)
    %add3A_56 = arith.constant 0 : i32
    %add3A_57 = arith.addi %mul3A_2, %add3A_56 : i32
    %mul3A_58 = arith.constant 128 : i32
    %mul3A_59 = arith.muli %add3A_57, %mul3A_58 : i32
    %dma_wait3A_60 = arith.constant 2 : i32
    %dma_wait3A_61 = arith.constant 2 : i32
    %dma_wait3A_62 = arith.constant 0 : i32
    %dma_wait3A_63 = arith.constant 0 : i32
    %dma_wait3A_64 = tpu.memref_slice %arg7[%dma_wait3A_60, %dma_wait3A_62, %dma_wait3A_63] : memref<6x128x128xf32, #tpu.memory_space<vmem>> -> memref<1x128x128xf32, #tpu.memory_space<vmem>>
    %dma_wait3A_65 = tpu.memref_squeeze %dma_wait3A_64 : memref<1x128x128xf32, #tpu.memory_space<vmem>> -> memref<128x128xf32, #tpu.memory_space<vmem>>
    %dma_wait3A_66 = arith.constant 0 : i32
    %dma_wait3A_67 = tpu.memref_slice %arg5[%mul3A_59, %dma_wait3A_66] : memref<400000x128xf32, #tpu.memory_space<hbm>> -> memref<128x128xf32, #tpu.memory_space<hbm>>
    %dma_wait3A_68 = tpu.memref_slice %arg10[%dma_wait3A_61] : memref<6x!tpu.dma_semaphore, #tpu.memory_space<semaphore_mem>> -> memref<1x!tpu.dma_semaphore, #tpu.memory_space<semaphore_mem>>
    %dma_wait3A_69 = tpu.memref_squeeze %dma_wait3A_68 : memref<1x!tpu.dma_semaphore, #tpu.memory_space<semaphore_mem>> -> memref<!tpu.dma_semaphore, #tpu.memory_space<semaphore_mem>>
    %dma_wait3A_70 = arith.constant 0 : i32
    %dma_wait3A_71 = tpu.memref_slice %arg5[%mul3A_59, %dma_wait3A_70] : memref<400000x128xf32, #tpu.memory_space<hbm>> -> memref<128x128xf32, #tpu.memory_space<hbm>>
    %dma_wait3A_72 = arith.constant 0 : i32
    %dma_wait3A_73 = arith.constant 0 : i32
    %dma_wait3A_74 = tpu.memref_slice %arg7[%dma_wait3A_60, %dma_wait3A_72, %dma_wait3A_73] : memref<6x128x128xf32, #tpu.memory_space<vmem>> -> memref<1x128x128xf32, #tpu.memory_space<vmem>>
    %dma_wait3A_75 = tpu.memref_squeeze %dma_wait3A_74 : memref<1x128x128xf32, #tpu.memory_space<vmem>> -> memref<128x128xf32, #tpu.memory_space<vmem>>
    tpu.wait_dma2 semaphore(%dma_wait3A_69 : memref<!tpu.dma_semaphore, #tpu.memory_space<semaphore_mem>>) src(%dma_wait3A_75 : memref<128x128xf32, #tpu.memory_space<vmem>>) dst(%dma_wait3A_71 : memref<128x128xf32, #tpu.memory_space<hbm>>)
    %add3A_76 = arith.constant 0 : i32
    %add3A_77 = arith.addi %mul3A_2, %add3A_76 : i32
    %mul3A_78 = arith.constant 128 : i32
    %mul3A_79 = arith.muli %add3A_77, %mul3A_78 : i32
    %dma_wait3A_80 = arith.constant 3 : i32
    %dma_wait3A_81 = arith.constant 3 : i32
    %dma_wait3A_82 = arith.constant 0 : i32
    %dma_wait3A_83 = arith.constant 0 : i32
    %dma_wait3A_84 = tpu.memref_slice %arg7[%dma_wait3A_80, %dma_wait3A_82, %dma_wait3A_83] : memref<6x128x128xf32, #tpu.memory_space<vmem>> -> memref<1x128x128xf32, #tpu.memory_space<vmem>>
    %dma_wait3A_85 = tpu.memref_squeeze %dma_wait3A_84 : memref<1x128x128xf32, #tpu.memory_space<vmem>> -> memref<128x128xf32, #tpu.memory_space<vmem>>
    %dma_wait3A_86 = arith.constant 0 : i32
    %dma_wait3A_87 = tpu.memref_slice %arg5[%mul3A_79, %dma_wait3A_86] : memref<400000x128xf32, #tpu.memory_space<hbm>> -> memref<128x128xf32, #tpu.memory_space<hbm>>
    %dma_wait3A_88 = tpu.memref_slice %arg10[%dma_wait3A_81] : memref<6x!tpu.dma_semaphore, #tpu.memory_space<semaphore_mem>> -> memref<1x!tpu.dma_semaphore, #tpu.memory_space<semaphore_mem>>
    %dma_wait3A_89 = tpu.memref_squeeze %dma_wait3A_88 : memref<1x!tpu.dma_semaphore, #tpu.memory_space<semaphore_mem>> -> memref<!tpu.dma_semaphore, #tpu.memory_space<semaphore_mem>>
    %dma_wait3A_90 = arith.constant 0 : i32
    %dma_wait3A_91 = tpu.memref_slice %arg5[%mul3A_79, %dma_wait3A_90] : memref<400000x128xf32, #tpu.memory_space<hbm>> -> memref<128x128xf32, #tpu.memory_space<hbm>>
    %dma_wait3A_92 = arith.constant 0 : i32
    %dma_wait3A_93 = arith.constant 0 : i32
    %dma_wait3A_94 = tpu.memref_slice %arg7[%dma_wait3A_80, %dma_wait3A_92, %dma_wait3A_93] : memref<6x128x128xf32, #tpu.memory_space<vmem>> -> memref<1x128x128xf32, #tpu.memory_space<vmem>>
    %dma_wait3A_95 = tpu.memref_squeeze %dma_wait3A_94 : memref<1x128x128xf32, #tpu.memory_space<vmem>> -> memref<128x128xf32, #tpu.memory_space<vmem>>
    tpu.wait_dma2 semaphore(%dma_wait3A_89 : memref<!tpu.dma_semaphore, #tpu.memory_space<semaphore_mem>>) src(%dma_wait3A_95 : memref<128x128xf32, #tpu.memory_space<vmem>>) dst(%dma_wait3A_91 : memref<128x128xf32, #tpu.memory_space<hbm>>)
    %add3A_96 = arith.constant 0 : i32
    %add3A_97 = arith.addi %mul3A_2, %add3A_96 : i32
    %mul3A_98 = arith.constant 128 : i32
    %mul3A_99 = arith.muli %add3A_97, %mul3A_98 : i32
    %dma_wait3A_100 = arith.constant 4 : i32
    %dma_wait3A_101 = arith.constant 4 : i32
    %dma_wait3A_102 = arith.constant 0 : i32
    %dma_wait3A_103 = arith.constant 0 : i32
    %dma_wait3A_104 = tpu.memref_slice %arg7[%dma_wait3A_100, %dma_wait3A_102, %dma_wait3A_103] : memref<6x128x128xf32, #tpu.memory_space<vmem>> -> memref<1x128x128xf32, #tpu.memory_space<vmem>>
    %dma_wait3A_105 = tpu.memref_squeeze %dma_wait3A_104 : memref<1x128x128xf32, #tpu.memory_space<vmem>> -> memref<128x128xf32, #tpu.memory_space<vmem>>
    %dma_wait3A_106 = arith.constant 0 : i32
    %dma_wait3A_107 = tpu.memref_slice %arg5[%mul3A_99, %dma_wait3A_106] : memref<400000x128xf32, #tpu.memory_space<hbm>> -> memref<128x128xf32, #tpu.memory_space<hbm>>
    %dma_wait3A_108 = tpu.memref_slice %arg10[%dma_wait3A_101] : memref<6x!tpu.dma_semaphore, #tpu.memory_space<semaphore_mem>> -> memref<1x!tpu.dma_semaphore, #tpu.memory_space<semaphore_mem>>
    %dma_wait3A_109 = tpu.memref_squeeze %dma_wait3A_108 : memref<1x!tpu.dma_semaphore, #tpu.memory_space<semaphore_mem>> -> memref<!tpu.dma_semaphore, #tpu.memory_space<semaphore_mem>>
    %dma_wait3A_110 = arith.constant 0 : i32
    %dma_wait3A_111 = tpu.memref_slice %arg5[%mul3A_99, %dma_wait3A_110] : memref<400000x128xf32, #tpu.memory_space<hbm>> -> memref<128x128xf32, #tpu.memory_space<hbm>>
    %dma_wait3A_112 = arith.constant 0 : i32
    %dma_wait3A_113 = arith.constant 0 : i32
    %dma_wait3A_114 = tpu.memref_slice %arg7[%dma_wait3A_100, %dma_wait3A_112, %dma_wait3A_113] : memref<6x128x128xf32, #tpu.memory_space<vmem>> -> memref<1x128x128xf32, #tpu.memory_space<vmem>>
    %dma_wait3A_115 = tpu.memref_squeeze %dma_wait3A_114 : memref<1x128x128xf32, #tpu.memory_space<vmem>> -> memref<128x128xf32, #tpu.memory_space<vmem>>
    tpu.wait_dma2 semaphore(%dma_wait3A_109 : memref<!tpu.dma_semaphore, #tpu.memory_space<semaphore_mem>>) src(%dma_wait3A_115 : memref<128x128xf32, #tpu.memory_space<vmem>>) dst(%dma_wait3A_111 : memref<128x128xf32, #tpu.memory_space<hbm>>)
    %add3A_116 = arith.constant 0 : i32
    %add3A_117 = arith.addi %mul3A_2, %add3A_116 : i32
    %mul3A_118 = arith.constant 128 : i32
    %mul3A_119 = arith.muli %add3A_117, %mul3A_118 : i32
    %dma_wait3A_120 = arith.constant 5 : i32
    %dma_wait3A_121 = arith.constant 5 : i32
    %dma_wait3A_122 = arith.constant 0 : i32
    %dma_wait3A_123 = arith.constant 0 : i32
    %dma_wait3A_124 = tpu.memref_slice %arg7[%dma_wait3A_120, %dma_wait3A_122, %dma_wait3A_123] : memref<6x128x128xf32, #tpu.memory_space<vmem>> -> memref<1x128x128xf32, #tpu.memory_space<vmem>>
    %dma_wait3A_125 = tpu.memref_squeeze %dma_wait3A_124 : memref<1x128x128xf32, #tpu.memory_space<vmem>> -> memref<128x128xf32, #tpu.memory_space<vmem>>
    %dma_wait3A_126 = arith.constant 0 : i32
    %dma_wait3A_127 = tpu.memref_slice %arg5[%mul3A_119, %dma_wait3A_126] : memref<400000x128xf32, #tpu.memory_space<hbm>> -> memref<128x128xf32, #tpu.memory_space<hbm>>
    %dma_wait3A_128 = tpu.memref_slice %arg10[%dma_wait3A_121] : memref<6x!tpu.dma_semaphore, #tpu.memory_space<semaphore_mem>> -> memref<1x!tpu.dma_semaphore, #tpu.memory_space<semaphore_mem>>
    %dma_wait3A_129 = tpu.memref_squeeze %dma_wait3A_128 : memref<1x!tpu.dma_semaphore, #tpu.memory_space<semaphore_mem>> -> memref<!tpu.dma_semaphore, #tpu.memory_space<semaphore_mem>>
    %dma_wait3A_130 = arith.constant 0 : i32
    %dma_wait3A_131 = tpu.memref_slice %arg5[%mul3A_119, %dma_wait3A_130] : memref<400000x128xf32, #tpu.memory_space<hbm>> -> memref<128x128xf32, #tpu.memory_space<hbm>>
    %dma_wait3A_132 = arith.constant 0 : i32
    %dma_wait3A_133 = arith.constant 0 : i32
    %dma_wait3A_134 = tpu.memref_slice %arg7[%dma_wait3A_120, %dma_wait3A_132, %dma_wait3A_133] : memref<6x128x128xf32, #tpu.memory_space<vmem>> -> memref<1x128x128xf32, #tpu.memory_space<vmem>>
    %dma_wait3A_135 = tpu.memref_squeeze %dma_wait3A_134 : memref<1x128x128xf32, #tpu.memory_space<vmem>> -> memref<128x128xf32, #tpu.memory_space<vmem>>
    tpu.wait_dma2 semaphore(%dma_wait3A_129 : memref<!tpu.dma_semaphore, #tpu.memory_space<semaphore_mem>>) src(%dma_wait3A_135 : memref<128x128xf32, #tpu.memory_space<vmem>>) dst(%dma_wait3A_131 : memref<128x128xf32, #tpu.memory_space<hbm>>)
    return
  }
}

</mosaic_0001>

<sc_bundles>
// kernel: kernel.3.cloned.1.call-start
scs
__scs_entry_jumppad:
0x0: {  	(pc) =	sbr.rel $0x88, $3  }
0x1: {  	(tag) =	ssettag $0x0;
	lr =	simm.s32 $0x1  }
0x2: {  	[smem:$0x3F9E] =	sst lr;
	_ =	strace $0xD0000000  }
0x3: {  	_ = 	snop  }
0x4: {  	_ = 	snop  }
0x5: {  	_ = 	snop  }
0x6: {  	_ = 	snop  }
0x7: {  	_ = 	snop  }
__scs_overlays_trampoline_lowered:
0x8: {  	[smem:$0x3FAD] =	sst s0  }
0x9: {  	[smem:$0x3FAE] =	sst s1  }
0xa: {  	[smem:$0x3FAF] =	sst s2  }
0xb: {  	[smem:$0x3FB0] =	sst s3  }
0xc: {  	[smem:$0x3FB1] =	sst s4  }
0xd: {  	[smem:$0x3FB2] =	sst s5  }
0xe: {  	[smem:$0x3FB3] =	sst s6  }
0xf: {  	[smem:$0x3FB4] =	sst s7  }
0x10: {  	[smem:$0x3FB5] =	sst s8  }
0x11: {  	[smem:$0x3FB6] =	sst s9;
	s0 =	simm.s32 @!p0 $0x0  }
0x12: {  	s1 =	sld [smem:$0x3F9C];
	s0 =	simm.s32 @p0 $0x1  }
0x13: {  	[smem:$0x3FB7] =	sst s0;
	s0 =	simm.s32 @!p1 $0x0  }
0x14: {  	s2 =	sld [smem:$0x3F9B];
	s0 =	simm.s32 @p1 $0x1  }
0x15: {  	[smem:$0x3FB8] =	sst s0;
	s0 =	simm.s32 @!p2 $0x0  }
0x16: {  	s3 =	sld [smem:$0x3FDB];
	s0 =	simm.s32 @p2 $0x1  }
0x17: {  	s4 =	simm.s32 $0x1BF5;
	[smem:$0x3FBA] =	sst s0  }
0x18: {  	s0 =	sld [smem:$0x3F9D];
	_ =	swait.ge [sflag:s4], $0x0  }
0x19: {  	s7 =	sld [smem:$0x3F9E]  }
0x1a: {  	s8 =	sadd.s32 $0xFFFFE003, lr  }
0x1b: {  	s9 =	sadd.s32 $0xFFFFFEF7, lr;
	s5 =	simm.s32 $0xFFFFFFFF;
	p2 =	slt.u32 s8, $0xFFFFF086  }
0x1c: {  	p1 =	slt.u32 s9, $0xF7A;
	s5 =	simm.s32 @!p2 $0x0  }
0x1d: {  	s5 =	simm.s32 @p1 $0x1;
	p0 =	seq.s32 s7, s2  }
0x1e: {  	s7 =	smul.u32 @!p0 $0xF7A, s2;
	p2 =	seq.s32 @!p0 s5, $0x0  }
0x1f: {  	s9 =	smul.u32 $0xF7A, s1;
	s8 =	simm.s32 @!p0 $0x1BF5;
	p2 =	por !p2, p0  }
0x20: {  	[sflag:s8] =	ssyncset.s32 @!p0 $0xFFFFF086;
	s6 =	sadd.s32 @!p0 s3, s7;
	s7 =	simm.s32 @!p0 $0x108  }
0x21: {  	s3 =	sadd.s32 s3, s9;
	s6 =	sadd.s32 @!p0 $0x88, s6;
	s7 =	simm.s32 @p2 $0x1082  }
0x22: {  	[simem:s7], [sflag:s8] =	dma.local @!p0 [hbm:s6], $0xF7A  }
0x23: {  	s9 =	sor.u32 $0xD0000000, s2;
	s6 =	simm.s32 $0x108;
	_ =	swait.ge @!p0 [sflag:s8], $0x0  }
0x24: {  	s3 =	sadd.s32 $0x88, s3;
	s6 =	simm.s32 @!p1 $0x1082;
	[sflag:s4] =	ssyncset.s32 $0xFFFFF086  }
0x25: {  	[simem:s6], [sflag:s4] =	dma.local [hbm:s3], $0xF7A  }
0x26: {  	[smem:$0x3F9E] =	sst s1;
	(tag) =	ssettag s2;
	_ =	strace s9  }
0x27: {  	s1 =	sld [smem:$0x3FAE]  }
0x28: {  	s2 =	sld [smem:$0x3FAF]  }
0x29: {  	s4 =	sld [smem:$0x3FB1]  }
0x2a: {  	p0 =	seq.s32 s5, $0x0;
	s5 =	sld [smem:$0x3FB2]  }
0x2b: {  	s6 =	sld [smem:$0x3FB3]  }
0x2c: {  	s7 =	sld [smem:$0x3FB4]  }
0x2d: {  	s3 =	simm.s32 $0x108;
	s8 =	sld [smem:$0x3FB5]  }
0x2e: {  	s3 =	simm.s32 @!p0 $0x1082;
	s9 =	sld [smem:$0x3FB6]  }
0x2f: {  	lr =	sadd.s32 s0, s3;
	s0 =	sld [smem:$0x3FAD]  }
0x30: {  	s3 =	sld [smem:$0x3FB0]  }
0x31: {  	[smem:$0x3FB9] =	sst s10  }
0x32: {  	s10 =	sld [smem:$0x3FB7];
	_ =	sdelay $0x3  }
0x33: {  	p0 =	seq.s32 s10, $0x1;
	s10 =	sld [smem:$0x3FB9];
	_ =	sdelay $0x3  }
0x34: {  	[smem:$0x3FB9] =	sst s10  }
0x35: {  	s10 =	sld [smem:$0x3FB8];
	_ =	sdelay $0x3  }
0x36: {  	p1 =	seq.s32 s10, $0x1;
	s10 =	sld [smem:$0x3FB9];
	_ =	sdelay $0x3  }
0x37: {  	[smem:$0x3FB9] =	sst s10  }
0x38: {  	s10 =	sld [smem:$0x3FBA]  }
0x39: {  	_ = 	snop;
	(pc) =	sbr.ind lr, $3  }
0x3a: {  	_ = 	snop  }
0x3b: {  	_ = 	snop  }
0x3c: {  	p2 =	seq.s32 s10, $0x1;
	s10 =	sld [smem:$0x3FB9]  }
0x3d: {  	_ =	shalt  }
0x3e: {  	_ =	shalt  }
0x3f: {  	_ =	shalt  }
0x40: {  	_ =	shalt  }
0x41: {  	_ =	shalt  }
0x42: {  	_ =	shalt  }
0x43: {  	_ =	shalt  }
0x44: {  	_ =	shalt  }
0x45: {  	_ =	shalt  }
0x46: {  	_ =	shalt  }
0x47: {  	_ =	shalt  }
0x48: {  	_ =	shalt  }
0x49: {  	_ =	shalt  }
0x4a: {  	_ =	shalt  }
0x4b: {  	_ =	shalt  }
0x4c: {  	_ =	shalt  }
0x4d: {  	_ =	shalt  }
0x4e: {  	_ =	shalt  }
0x4f: {  	_ =	shalt  }
0x50: {  	_ =	shalt  }
0x51: {  	_ =	shalt  }
0x52: {  	_ =	shalt  }
0x53: {  	_ =	shalt  }
0x54: {  	_ =	shalt  }
0x55: {  	_ =	shalt  }
0x56: {  	_ =	shalt  }
0x57: {  	_ =	shalt  }
0x58: {  	_ =	shalt  }
0x59: {  	_ =	shalt  }
0x5a: {  	_ =	shalt  }
0x5b: {  	_ =	shalt  }
0x5c: {  	_ =	shalt  }
0x5d: {  	_ =	shalt  }
0x5e: {  	_ =	shalt  }
0x5f: {  	_ =	shalt  }
0x60: {  	_ =	shalt  }
0x61: {  	_ =	shalt  }
0x62: {  	_ =	shalt  }
0x63: {  	_ =	shalt  }
0x64: {  	_ =	shalt  }
0x65: {  	_ =	shalt  }
0x66: {  	_ =	shalt  }
0x67: {  	_ =	shalt  }
0x68: {  	_ =	shalt  }
0x69: {  	_ =	shalt  }
0x6a: {  	_ =	shalt  }
0x6b: {  	_ =	shalt  }
0x6c: {  	_ =	shalt  }
0x6d: {  	_ =	shalt  }
0x6e: {  	_ =	shalt  }
0x6f: {  	_ =	shalt  }
0x70: {  	_ =	shalt  }
0x71: {  	_ =	shalt  }
0x72: {  	_ =	shalt  }
0x73: {  	_ =	shalt  }
0x74: {  	_ =	shalt  }
0x75: {  	_ =	shalt  }
0x76: {  	_ =	shalt  }
0x77: {  	_ =	shalt  }
0x78: {  	_ =	shalt  }
0x79: {  	_ =	shalt  }
0x7a: {  	_ =	shalt  }
0x7b: {  	_ =	shalt  }
0x7c: {  	_ =	shalt  }
0x7d: {  	_ =	shalt  }
0x7e: {  	_ =	shalt  }
0x7f: {  	_ =	shalt  }
0x80: {  	_ =	shalt  }
0x81: {  	_ =	shalt  }
0x82: {  	_ =	shalt  }
0x83: {  	_ =	shalt  }
0x84: {  	_ =	shalt  }
0x85: {  	_ =	shalt  }
0x86: {  	_ =	shalt  }
0x87: {  	_ =	shalt  }
.Lfunc_end0:
.L_simem_size_0:
called_computation_lowered:
.L_overlay_start_0:
0x88: {  	s2 =	sld [smem:$0x3FD9]  }
0x89: {  	s3 =	sld [smem:$0x3FFE];
	_ =	sdelay $0x1  }
0x8a: {  	s1 =	srdreg.scid  }
0x8b: {  	s0 =	sand.u32 $0x1, s1  }
0x8c: {  	s17 =	sshll.u32 s0, $0xA;
	s2 =	sadd.s32 s3, s2  }
0x8d: {  	s2 =	sadd.s32 s2, s17  }
0x8e: {  	[smem:$0x3FC5] =	sst s2  }
0x8f: {  	_ = 	snop  }
0x90: {  	s2 =	sld [smem:$0x3FC9]  }
0x91: {  	s18 =	sld [smem:$0x3FC8]  }
0x92: {  	s4 =	sld [smem:$0x3FD0];
	(tm) =	ssettm $0x1  }
0x93: {  	s5 =	sld [smem:$0x3FFB];
	_ =	sdelay $0x3  }
0x94: {  	_ =	strace s5  }
0x95: {  	s5 =	sld [smem:$0x3FFC];
	_ =	sdelay $0x3  }
0x96: {  	_ =	strace s5  }
0x97: {  	s5 =	sld [smem:$0x3FFD];
	_ =	sdelay $0x3  }
0x98: {  	_ =	strace s5  }
0x99: {  	_ =	strace $0x8FFFFFFF  }
0x9a: {  	s19 =	sld [smem:$0x3FDB];
	_ =	sdelay $0x1  }
0x9b: {  	s6 =	simm.s32 $_scs_section_size  }
0x9c: {  	s7 =	simm.s32 $_size__tile_overlayer_lowered;
	s8 =	simm.s32 $_tile_overlayer_lowered  }
0x9d: {  	s22 =	simm.s32 $0x1BFF;
	s21 =	sshll.u32 s8, $0x1;
	s5 =	sadd.s32 s6, s19  }
0x9e: {  	s9 =	simm.s32 $0x0;
	s20 =	sshll.u32 s7, $0x1;
	s7 =	sadd.s32 s21, s5  }
0x9f: {  	[timem:s9], [sflag:s22] =	dma.local [hbm:s7], s20  }
0xa0: {  	_ =	swait.ge [sflag:s22], s20  }
0xa1: {  	s6 =	ssub.s32 $0x0, s20;
	[sflag:s22] =	ssyncset.done $0x0  }
0xa2: {  	[sflag:s22] =	ssyncadd.s32 s6;
	_ =	sdelay $0x1  }
0xa3: {  	s23 =	simm.s32 $0x1B8B  }
0xa4: {  	_ =	swait.ge [sflag:s23], $0x1  }
0xa5: {  	[sflag:s23] =	ssyncset.done $0x0  }
0xa6: {  	s25 =	simm.s32 $0x1B8E;
	s24 =	sld [smem:$0x3FFE];
	[sflag:s23] =	ssyncadd.s32 $0xFFFFFFFF  }
0xa7: {  	s26 =	simm.s32 $execute0_lowered;
	[smem:$0x3FD2] =	sst s25  }
0xa8: {  	s7 =	sshll.u32 s26, $0x1;
	_ =	strace $0x80000046;
	[dreg:$0x1] =	wrdreg $0xFFFFFFFF  }
0xa9: {  	s28 =	simm.s32 $_size_execute0_lowered;
	s5 =	sadd.s32 s5, s7;
	[dreg:$0x0] =	wrdreg $0x0  }
0xaa: {  	s7 =	sshll.u32 s28, $0x1;
	[dreg:$0x2] =	wrdreg s5  }
0xab: {  	[dreg:$0x3] =	wrdreg s7  }
0xac: {  	[dreg:$0x4] =	wrdreg $0xC0  }
0xad: {  	_ =	task [dreg:s9], $0x5FFFF  }
0xae: {  	[dreg:$0x1] =	wrdreg $0xFFFFFFFF  }
0xaf: {  	[dreg:$0x0] =	wrdreg $0x60  }
0xb0: {  	[dreg:$0x2] =	wrdreg s2  }
0xb1: {  	[dreg:$0x3] =	wrdreg s18  }
0xb2: {  	[dreg:$0x4] =	wrdreg s24  }
0xb3: {  	[dreg:$0x5] =	wrdreg s4  }
0xb4: {  	[dreg:$0x6] =	wrdreg $0x9  }
0xb5: {  	_ =	task.clear_ibuf [dreg:s9], $0x7FFFF;
	_ =	strace $0x90000046  }
0xb6: {  	s29 =	simm.s32 $0x9;
	_ =	strace $0x80000048  }
0xb7: {  	_ =	swait.ge [sflag:s29], $0x1  }
0xb8: {  	[sflag:s29] =	ssyncadd.s32 $0xFFFFFFFF  }
0xb9: {  	_ =	strace $0x90000048  }
0xba: {  	_ =	sfence  }
0xbb: {  	s30 =	sld [smem:$0x0];
	_ =	sdelay $0x2  }
0xbc: {  	s31 =	sshll.u32 s1, $0xD;
	s1 =	sshrl.u32 s1, $0x2  }
0xbd: {  	s3 =	sand.u32 $0x4000, s31;
	s1 =	sadd.s32 s1, s30  }
0xbe: {  	s0 =	sor.u32 s3, s0;
	s1 =	sshll.u32 s1, $0x11  }
0xbf: {  	s0 =	sor.u32 s1, s0  }
0xc0: {  	s0 =	sadd.s32 $0x8F2B, s0  }
0xc1: {  	[sflag:s0] =	ssyncadd.remote.s32 $0x1  }
0xc2: {  	_ =	sfence.sel $0xFFFF  }
0xc3: {  	[dreg:$0x0] =	wrdreg $0xFFFFFFFF;
	(pc) =	sbr.abs _section_cstart, $3  }
0xc4: {  	[dreg:$0x1] =	wrdreg $0xFFFFFFFF  }
0xc5: {  	_ =	task.clear_ibuf [dreg:s9], $0x2FFFF;
	_ =	strace $0x9FFFFFFF  }
0xc6: {  	(tm) =	ssettm $0x7FFFFFFF  }
0xc7: {  	_ =	shalt  }
tec
execute0_lowered:
.L_overlay_start_1:
0x0: {  	(tag) =	ssettag $0x1  }
0x1: {  	s0 =	srdreg.scid;
	s1 =	rddreg [dreg:$0x0]  }
0x2: {  	s10 =	stileid.u32;
	s8 =	rddreg [dreg:$0x1]  }
0x3: {  	s5 =	rddreg [dreg:$0x2];
	s9 =	smul.u32 $0x62000, s10  }
0x4: {  	s0 =	sand.u32 $0x1, s0;
	s2 =	sshll.u32 s10, $0x1;
	s10 =	smul.u32 $0xC4, s10  }
0x5: {  	s3 =	rddreg [dreg:$0x3];
	s4 =	simm.s32 $0x0;
	s12 =	smul.u32 $0x62, s0  }
0x6: {  	s2 =	sor.u32 s0, s2;
	s11 =	ssub.s32 $0x2, s0;
	s0 =	smul.u32 $0x31000, s0  }
0x7: {  	[smem:$0x7FF] =	sst s4;
	s6 =	smul.u32 $0x680, s2  }
0x8: {  	s16 =	sadd.s32 $0x800, s8;
	_ =	strace $0x80000047;
	s7 =	smul.u32 $0x62, s2  }
0x9: {  	s2 =	smul.u32 $0x31000, s2;
	s14 =	sadd.s32 s12, s10;
	s12 =	simm.s32 $0x13  }
0xa: {  	s13 =	sadd.s32 s6, s5;
	s6 =	sshrl.u32 s11, $0x1;
	s7 =	ssub.s32 $0xC35, s7  }
0xb: {  	s15 =	sshll.u32 s14, $0xB;
	s29 =	sadd.s32 s8, s2;
	s2 =	sadd.s32 s2, s16  }
0xc: {  	s11 =	ssub.s32 s11, s6;
	s5 =	smin.u32 s7, $0x62;
	[dreg:$0xf] =	wrdreg s29  }
0xd: {  	s6 =	sadd.s32 s0, s9;
	s26 =	sadd.s32 $0x400, s13;
	[dreg:$0x10] =	wrdreg s2  }
0xe: {  	s18 =	sadd.s32 s15, s3;
	s17 =	sadd.s32 s3, s6;
	[dreg:$0xe] =	wrdreg s26  }
0xf: {  	s20 =	sadd.s32 s16, s15;
	s19 =	sadd.s32 $0x800, s18;
	[dreg:$0x7] =	wrdreg s17  }
0x10: {  	s22 =	sadd.s32 s8, s15;
	s21 =	sadd.s32 $0x3000, s20;
	[dreg:$0x9] =	wrdreg s19  }
0x11: {  	s0 =	sadd.s32 $0x1000, s15;
	s23 =	sadd.s32 $0x3000, s22;
	[dreg:$0xd] =	wrdreg s21  }
0x12: {  	s15 =	simm.s32 $0xD;
	s24 =	sadd.s32 $0x2000, s20;
	[dreg:$0xb] =	wrdreg s23  }
0x13: {  	s25 =	sadd.s32 $0x2000, s22;
	s7 =	sadd.s32 s0, s3;
	[dreg:$0xa] =	wrdreg s24  }
0x14: {  	s30 =	sadd.s32 s0, s16;
	s0 =	sadd.s32 s0, s8;
	[dreg:$0x8] =	wrdreg s25  }
0x15: {  	s31 =	smax.u32 s11, $0x1;
	s16 =	simm.s32 $0xE;
	[dreg:$0x6] =	wrdreg s30  }
0x16: {  	s18 =	simm.s32 $0x10;
	s20 =	simm.s32 $0x12;
	[dreg:$0x11] =	wrdreg s31  }
0x17: {  	s28 =	sadd.s32 $0x800, s7;
	[dreg:$0x5] =	wrdreg s0;
	s17 =	simm.s32 $0xF  }
0x18: {  	s19 =	simm.s32 $0x11;
	s21 =	simm.s32 $0x0;
	[dreg:$0xc] =	wrdreg s28  }
.LBB2_1:
0x19: {  	s0 =	rddreg [dreg:$0xe]  }
0x1a: {  	s2 =	simm.s32 $0x3400;
	s30 =	simm.s32 $0x7400;
	p1 =	por $0x1, $0x1  }
0x1b: {  	[tilespmem:s4], [sflag:$0x13] =	stream.linear.gather [hbm4b:s0+s4], $0x3100, $0x38;
	[tilespmem:$0x1B400] =	vst v63  }
0x1c: {  	p0 =	sle.s32 @!p1 s5, $0xFFFFFFFE;
	p5 =	slt.u32 @!p1 s5, $0x0;
	_ =	swait.ge [sflag:s12], $0x3100  }
0x1d: {  	p2 =	por p0, p1;
	p0 =	sle.u32 s5, $0x2;
	s25 =	rddreg [dreg:$0xf]  }
0x1e: {  	p1 =	por p5, p1;
	[sflag:s12] =	ssyncset.done $0x0;
	s26 =	rddreg [dreg:$0x10]  }
0x1f: {  	s0 =	sadd.s32 @!p2 $0x0, s6;
	p3 =	por @!p0 $0x1, $0x1;
	[sflag:s12] =	ssyncadd.s32 $0xFFFFCF00  }
0x20: {  	[tilespmem:s2], [sflag:$0x1] =	stream.linear.gather [hbm4b:s25+s4], $0x4000, $0x38;
	[tilespmem:$0x1B400] =	vst v63  }
0x21: {  	s8 =	simm.s32 @!p2 $0x13400;
	s13 =	sadd.s32 @!p1 $0x0, s6;
	s2 =	simm.s32 @!p2 $0xB  }
0x22: {  	[tilespmem:s30], [sflag:$0x2] =	stream.linear.gather [hbm4b:s26+s4], $0x4000, $0x38;
	[tilespmem:$0x1B400] =	vst v63  }
0x23: {  	s0 =	sadd.s32 @!p2 $0xFFFFF000, s0;
	p4 =	por p3, p0;
	_ =	swait.ge @!p2 [sflag:s2], $0x4000  }
0x24: {  	s0 =	sand.u32 @!p2 $0x1FFFF000, s0;
	s9 =	simm.s32 @!p4 $0xF;
	[sflag:s2] =	ssyncset.done @!p2 $0x0  }
0x25: {  	s0 =	sadd.s32 @!p2 s3, s0;
	[sflag:s2] =	ssyncadd.s32 @!p2 $0xFFFFC000;
	s2 =	simm.s32 @!p2 $0x0  }
0x26: {  	[hbm4b:s0+s2] =	stream.linear.scatter @!p2 [tilespmem:s8], [sflag:$0x11], $0x4000, $0x38;
	[tilespmem:$0x1B400] =	vst v63  }
0x27: {  	p3 =	sle.u32 s5, $0x0;
	s0 =	simm.s32 @!p0 $0x0;
	_ =	swait.ge @!p4 [sflag:s9], $0x4000  }
0x28: {  	s2 =	simm.s32 @!p0 $0xB400;
	s8 =	rddreg [dreg:$0x5];
	[sflag:s9] =	ssyncset.done @!p4 $0x0  }
0x29: {  	[sflag:s9] =	ssyncadd.s32 @!p4 $0xFFFFC000;
	s8 =	sadd.s32 @!p0 $0x0, s8;
	s9 =	simm.s32 @!p3 $0x1  }
0x2a: {  	[tilespmem:s2], [sflag:$0x3] =	stream.linear.gather @!p0 [hbm4b:s8+s0], $0x4000, $0x38;
	[tilespmem:$0x1B400] =	vst v63  }
0x2b: {  	s14 =	simm.s32 @!p1 $0xC;
	s13 =	sadd.s32 @!p1 $0x1FFFF800, s13;
	_ =	swait.ge @!p3 [sflag:s9], $0x4000  }
0x2c: {  	s22 =	simm.s32 @!p3 $0x80;
	p2 =	sle.u32 s5, $0x3;
	[sflag:s9] =	ssyncset.done @!p3 $0x0  }
0x2d: {  	p4 =	por @!p2 $0x1, $0x1;
	s8 =	simm.s32 @!p3 $0x3400;
	[sflag:s9] =	ssyncadd.s32 @!p3 $0xFFFFC000  }
0x2e: {  	[tilespmem:s8], [sflag:$0x7] =	stream.indirect.gather.add.f32 @!p3 [hbm:s1], $0x80, s4, s22, $0xb8;
	[tilespmem:$0x1B400] =	vst v63  }
0x2f: {  	s13 =	sand.u32 @!p1 $0x1FFFF800, s13;
	p4 =	por p4, p2;
	_ =	swait.ge @!p1 [sflag:s14], $0x4000  }
0x30: {  	s9 =	sadd.s32 @!p1 s3, s13;
	s13 =	simm.s32 @!p1 $0x0;
	[sflag:s14] =	ssyncset.done @!p1 $0x0  }
0x31: {  	s22 =	simm.s32 @!p1 $0x17400;
	[sflag:s14] =	ssyncadd.s32 @!p1 $0xFFFFC000;
	s14 =	simm.s32 @!p4 $0x10  }
0x32: {  	[hbm4b:s9+s13] =	stream.linear.scatter @!p1 [tilespmem:s22], [sflag:$0x12], $0x4000, $0x38;
	[tilespmem:$0x1B400] =	vst v63  }
0x33: {  	_ =	swait.ge @!p4 [sflag:s14], $0x4000  }
0x34: {  	s28 =	simm.s32 @!p2 $0x0;
	s29 =	simm.s32 @!p2 $0xF400;
	[sflag:s14] =	ssyncset.done @!p4 $0x0  }
0x35: {  	s9 =	rddreg [dreg:$0x6];
	[sflag:s14] =	ssyncadd.s32 @!p4 $0xFFFFC000;
	p4 =	sle.u32 s5, $0x1  }
0x36: {  	p1 =	sle.u32 s5, $0x4;
	s9 =	sadd.s32 @!p2 $0x0, s9;
	s13 =	simm.s32 @!p4 $0x2  }
0x37: {  	[tilespmem:s29], [sflag:$0x4] =	stream.linear.gather @!p2 [hbm4b:s9+s28], $0x4000, $0x38;
	[tilespmem:$0x1B400] =	vst v63  }
0x38: {  	p5 =	por @!p1 $0x1, $0x1;
	_ =	swait.ge @!p4 [sflag:s13], $0x4000  }
0x39: {  	s9 =	simm.s32 @!p4 $0x7400;
	s14 =	simm.s32 @!p4 $0x80;
	[sflag:s13] =	ssyncset.done @!p4 $0x0  }
0x3a: {  	s22 =	simm.s32 @!p4 $0x80;
	[sflag:s13] =	ssyncadd.s32 @!p4 $0xFFFFC000;
	s13 =	simm.s32 @!p3 $0x7  }
0x3b: {  	[tilespmem:s9], [sflag:$0x8] =	stream.indirect.gather.add.f32 @!p4 [hbm:s1], $0x80, s14, s22, $0xb8;
	[tilespmem:$0x1B400] =	vst v63  }
0x3c: {  	p5 =	por p5, p1;
	_ =	swait.ge @!p3 [sflag:s13], $0x4000  }
0x3d: {  	s22 =	simm.s32 @!p5 $0x11;
	s14 =	rddreg [dreg:$0x7];
	[sflag:s13] =	ssyncset.done @!p3 $0x0  }
0x3e: {  	[sflag:s13] =	ssyncadd.s32 @!p3 $0xFFFFC000;
	s13 =	sadd.s32 @!p3 $0x0, s14;
	s14 =	simm.s32 @!p3 $0x0  }
0x3f: {  	[hbm4b:s13+s14] =	stream.linear.scatter @!p3 [tilespmem:s8], [sflag:$0xD], $0x4000, $0x38;
	[tilespmem:$0x1B400] =	vst v63  }
0x40: {  	_ =	swait.ge @!p5 [sflag:s22], $0x4000  }
0x41: {  	s14 =	simm.s32 @!p1 $0x0;
	s8 =	simm.s32 @!p1 $0x13400;
	[sflag:s22] =	ssyncset.done @!p5 $0x0  }
0x42: {  	p3 =	sle.u32 s5, $0x5;
	s13 =	rddreg [dreg:$0x8];
	[sflag:s22] =	ssyncadd.s32 @!p5 $0xFFFFC000  }
0x43: {  	s13 =	sadd.s32 @!p1 $0x0, s13;
	s22 =	simm.s32 @!p0 $0x3;
	p5 =	por @!p3 $0x1, $0x1  }
0x44: {  	[tilespmem:s8], [sflag:$0x5] =	stream.linear.gather @!p1 [hbm4b:s13+s14], $0x4000, $0x38;
	[tilespmem:$0x1B400] =	vst v63  }
0x45: {  	p3 =	por p3, p3;
	s13 =	simm.s32 @!p0 $0x100;
	_ =	swait.ge @!p0 [sflag:s22], $0x4000  }
0x46: {  	s14 =	simm.s32 @!p0 $0x80;
	p5 =	por p5, p5;
	[sflag:s22] =	ssyncset.done @!p0 $0x0  }
0x47: {  	p3 =	por p3, p3;
	[sflag:s22] =	ssyncadd.s32 @!p0 $0xFFFFC000;
	s22 =	simm.s32 @!p4 $0x8  }
0x48: {  	[tilespmem:s2], [sflag:$0x9] =	stream.indirect.gather.add.f32 @!p0 [hbm:s1], $0x80, s13, s14, $0xb8;
	[tilespmem:$0x1B400] =	vst v63  }
0x49: {  	p5 =	por p5, p3;
	_ =	swait.ge @!p4 [sflag:s22], $0x4000  }
0x4a: {  	s14 =	simm.s32 @!p4 $0x0;
	s13 =	rddreg [dreg:$0x9];
	[sflag:s22] =	ssyncset.done @!p4 $0x0  }
0x4b: {  	[sflag:s22] =	ssyncadd.s32 @!p4 $0xFFFFC000;
	s13 =	sadd.s32 @!p4 $0x0, s13;
	s22 =	simm.s32 @!p5 $0x12  }
0x4c: {  	[hbm4b:s13+s14] =	stream.linear.scatter @!p4 [tilespmem:s9], [sflag:$0xE], $0x4000, $0x38;
	[tilespmem:$0x1B400] =	vst v63  }
0x4d: {  	s14 =	simm.s32 @!p3 $0x0;
	_ =	swait.ge @!p5 [sflag:s22], $0x4000  }
0x4e: {  	s13 =	simm.s32 @!p3 $0x17400;
	s9 =	rddreg [dreg:$0xa];
	[sflag:s22] =	ssyncset.done @!p5 $0x0  }
0x4f: {  	[sflag:s22] =	ssyncadd.s32 @!p5 $0xFFFFC000;
	s9 =	sadd.s32 @!p3 $0x0, s9;
	s22 =	simm.s32 @!p2 $0x4  }
0x50: {  	[tilespmem:s13], [sflag:$0x6] =	stream.linear.gather @!p3 [hbm4b:s9+s14], $0x4000, $0x38;
	[tilespmem:$0x1B400] =	vst v63  }
0x51: {  	_ =	swait.ge @!p2 [sflag:s22], $0x4000  }
0x52: {  	s9 =	simm.s32 @!p2 $0x180;
	[sflag:s22] =	ssyncset.done @!p2 $0x0  }
0x53: {  	s14 =	simm.s32 @!p2 $0x80;
	[sflag:s22] =	ssyncadd.s32 @!p2 $0xFFFFC000;
	s22 =	simm.s32 @!p0 $0x9  }
0x54: {  	[tilespmem:s29], [sflag:$0xA] =	stream.indirect.gather.add.f32 @!p2 [hbm:s1], $0x80, s9, s14, $0xb8;
	[tilespmem:$0x1B400] =	vst v63  }
0x55: {  	_ =	swait.ge @!p0 [sflag:s22], $0x4000  }
0x56: {  	[sflag:s22] =	ssyncset.done @!p0 $0x0  }
0x57: {  	p4 =	sle.u32 s5, $0x6;
	s9 =	sadd.s32 @!p0 $0x0, s7;
	[sflag:s22] =	ssyncadd.s32 @!p0 $0xFFFFC000  }
0x58: {  	[hbm4b:s9+s0] =	stream.linear.scatter @!p0 [tilespmem:s2], [sflag:$0xF], $0x4000, $0x38;
	[tilespmem:$0x1B400] =	vst v63  }
0x59: {  	s14 =	simm.s32 @!p4 $0xD;
	p0 =	sle.u32 s5, $0xB  }
0x5a: {  	s2 =	simm.s32 @!p4 $0x0;
	s9 =	simm.s32 @!p4 $0x3400;
	_ =	swait.ge @!p4 [sflag:s14], $0x4000  }
0x5b: {  	p5 =	por @!p0 $0x0, $0x0;
	s0 =	rddreg [dreg:$0xb];
	[sflag:s14] =	ssyncset.done @!p4 $0x0  }
0x5c: {  	p0 =	por p0, p0;
	[sflag:s14] =	ssyncadd.s32 @!p4 $0xFFFFC000;
	s0 =	sadd.s32 @!p4 $0x0, s0  }
0x5d: {  	[tilespmem:s9], [sflag:$0x1] =	stream.linear.gather @!p4 [hbm4b:s0+s2], $0x4000, $0x38;
	[tilespmem:$0x1B400] =	vst v63  }
0x5e: {  	s0 =	simm.s32 @!p0 $0x0  }
0x5f: {  	s0 =	simm.s32 @p0 $0x1;
	p0 =	por p5, p5  }
0x60: {  	s24 =	simm.s32 $0x6;
	[smem:$0x7FC] =	sst s0;
	s0 =	simm.s32 @!p0 $0x0  }
0x61: {  	s23 =	simm.s32 $0x300;
	p6 =	por $0x0, $0x0;
	s0 =	simm.s32 @p0 $0x1  }
0x62: {  	s31 =	simm.s32 $0x0;
	s14 =	simm.s32 @!p1 $0x5;
	[smem:$0x7FD] =	sst s0  }
0x63: {  	s25 =	simm.s32 $0xC;
	s26 =	simm.s32 $0x6000;
	_ =	swait.ge @!p1 [sflag:s14], $0x4000  }
0x64: {  	s22 =	simm.s32 $0x3000;
	s2 =	simm.s32 @!p1 $0x80;
	[sflag:s14] =	ssyncset.done @!p1 $0x0  }
0x65: {  	s9 =	simm.s32 @!p1 $0x200;
	s0 =	simm.s32 @!p2 $0xA;
	[sflag:s14] =	ssyncadd.s32 @!p1 $0xFFFFC000  }
0x66: {  	[tilespmem:s8], [sflag:$0xB] =	stream.indirect.gather.add.f32 @!p1 [hbm:s1], $0x80, s9, s2, $0xb8;
	[tilespmem:$0x1B400] =	vst v63  }
0x67: {  	p4 =	sle.u32 s5, $0x7;
	p5 =	sle.s32 @!p6 s5, $0x4;
	_ =	swait.ge @!p2 [sflag:s0], $0x4000  }
0x68: {  	p0 =	slt.u32 @!p6 s5, $0x6;
	s2 =	simm.s32 $0x0;
	s9 =	rddreg [dreg:$0xc]  }
.LBB2_2:
0x69: {  	s8 =	simm.s32 @!p0 $0x0  }
0x6a: {  	s14 =	sadd.s32 $0x5, s25;
	s8 =	simm.s32 @p0 $0x1  }
0x6b: {  	p0 =	sge.u32 s14, s5;
	[smem:$0x7F6] =	sst s8  }
0x6c: {  	s8 =	smov.u32 s26;
	s26 =	sadd.s32 $0x3000, s26;
	s10 =	simm.s32 @!p0 $0x0  }
0x6d: {  	s10 =	simm.s32 @p0 $0x1;
	p1 =	sne.s32 s26, $0x33000  }
0x6e: {  	[smem:$0x7F7] =	sst s10;
	s10 =	simm.s32 @!p1 $0x0  }
0x6f: {  	[sflag:s0] =	ssyncset.done @!p2 $0x0;
	s10 =	simm.s32 @p1 $0x1;
	p1 =	seq.s32 @!p0 s8, $0x0  }
0x70: {  	[sflag:s0] =	ssyncadd.s32 @!p2 $0xFFFFC000;
	s0 =	simm.s32 @!p1 $0x0  }
0x71: {  	s30 =	smov.u32 s24;
	[smem:$0x7FB] =	sst s10;
	s0 =	simm.s32 @p1 $0x1  }
0x72: {  	[smem:$0x7F8] =	sst s0;
	s0 =	sadd.s32 @!p2 s2, s9;
	s9 =	simm.s32 @!p4 $0xE  }
0x73: {  	[hbm4b:s0+s28] =	stream.linear.scatter @!p2 [tilespmem:s29], [sflag:$0x10], $0x4000, $0x38;
	[tilespmem:$0x1B400] =	vst v63  }
0x74: {  	s14 =	simm.s32 @!p3 $0x80;
	s28 =	sadd.s32 $0x2, s30;
	_ =	swait.ge @!p4 [sflag:s9], $0x4000  }
0x75: {  	p2 =	por p5, p6;
	p5 =	sge.u32 s28, s5;
	[sflag:s9] =	ssyncset.done @!p4 $0x0  }
0x76: {  	s28 =	simm.s32 @!p4 $0x0;
	s0 =	rddreg [dreg:$0xd];
	[sflag:s9] =	ssyncadd.s32 @!p4 $0xFFFFC000  }
0x77: {  	s9 =	simm.s32 @!p3 $0x6;
	s0 =	sadd.s32 @!p4 s2, s0;
	s2 =	simm.s32 @!p4 $0x7400  }
0x78: {  	[tilespmem:s2], [sflag:$0x2] =	stream.linear.gather @!p4 [hbm4b:s0+s28], $0x4000, $0x38;
	[tilespmem:$0x1B400] =	vst v63  }
0x79: {  	s10 =	sadd.s32 $0x3, s30;
	s0 =	sadd.s32 @!p2 s22, s6;
	_ =	swait.ge @!p3 [sflag:s9], $0x4000  }
0x7a: {  	s2 =	simm.s32 @!p2 $0xB;
	s0 =	sadd.s32 @!p2 $0xFFFFF000, s0;
	[sflag:s9] =	ssyncset.done @!p3 $0x0  }
0x7b: {  	s28 =	sadd.s32 @!p3 $0x280, s31;
	s29 =	sand.u32 @!p2 $0x1FFFF000, s0;
	[sflag:s9] =	ssyncadd.s32 @!p3 $0xFFFFC000  }
0x7c: {  	[tilespmem:s13], [sflag:$0xC] =	stream.indirect.gather.add.f32 @!p3 [hbm:s1], $0x80, s28, s14, $0xb8;
	[tilespmem:$0x1B400] =	vst v63  }
0x7d: {  	s9 =	sadd.s32 @!p2 s3, s29;
	p3 =	seq.s32 @!p5 s22, $0x0;
	_ =	swait.ge @!p2 [sflag:s2], $0x4000  }
0x7e: {  	s13 =	simm.s32 @!p2 $0x13400;
	p3 =	por p3, p5;
	[sflag:s2] =	ssyncset.done @!p2 $0x0  }
0x7f: {  	s28 =	simm.s32 @!p3 $0xF;
	[sflag:s2] =	ssyncadd.s32 @!p2 $0xFFFFC000;
	s2 =	simm.s32 @!p2 $0x0  }
0x80: {  	[hbm4b:s9+s2] =	stream.linear.scatter @!p2 [tilespmem:s13], [sflag:$0x11], $0x4000, $0x38;
	[tilespmem:$0x1B400] =	vst v63  }
0x81: {  	p4 =	sge.u32 s30, s5;
	s0 =	simm.s32 @!p5 $0x0;
	_ =	swait.ge @!p3 [sflag:s28], $0x4000  }
0x82: {  	s29 =	simm.s32 @!p4 $0x1;
	s14 =	simm.s32 @!p5 $0xB400;
	s9 =	rddreg [dreg:$0x5]  }
0x83: {  	p2 =	sge.u32 s10, s5;
	[sflag:s28] =	ssyncset.done @!p3 $0x0;
	s11 =	sld [smem:$0x7F6]  }
0x84: {  	s13 =	simm.s32 @!p4 $0x3400;
	[sflag:s28] =	ssyncadd.s32 @!p3 $0xFFFFC000;
	s9 =	sadd.s32 @!p5 s22, s9  }
0x85: {  	[tilespmem:s14], [sflag:$0x3] =	stream.linear.gather @!p5 [hbm4b:s9+s0], $0x4000, $0x38;
	[tilespmem:$0x1B400] =	vst v63  }
0x86: {  	p3 =	seq.s32 @!p2 s22, $0x0;
	p1 =	seq.s32 s11, $0x1;
	_ =	swait.ge @!p4 [sflag:s29], $0x4000  }
0x87: {  	s9 =	simm.s32 @!p4 $0x80;
	p0 =	por p1, p6;
	[sflag:s29] =	ssyncset.done @!p4 $0x0  }
0x88: {  	p6 =	por p3, p2;
	s28 =	simm.s32 @!p0 $0xC;
	s2 =	sadd.s32 @!p0 s22, s6  }
0x89: {  	s11 =	simm.s32 @!p0 $0x0;
	[sflag:s29] =	ssyncadd.s32 @!p4 $0xFFFFC000;
	s2 =	sadd.s32 @!p0 $0x1FFFF800, s2  }
0x8a: {  	[tilespmem:s13], [sflag:$0x7] =	stream.indirect.gather.add.f32 @!p4 [hbm:s1], $0x80, s23, s9, $0xb8;
	[tilespmem:$0x1B400] =	vst v63  }
0x8b: {  	s9 =	simm.s32 @!p6 $0x10;
	s2 =	sand.u32 @!p0 $0x1FFFF800, s2;
	_ =	swait.ge @!p0 [sflag:s28], $0x4000  }
0x8c: {  	s10 =	sadd.s32 @!p0 s3, s2;
	s2 =	smov.u32 s22;
	[sflag:s28] =	ssyncset.done @!p0 $0x0  }
0x8d: {  	s22 =	smov.u32 s8;
	s8 =	simm.s32 @!p0 $0x17400;
	[sflag:s28] =	ssyncadd.s32 @!p0 $0xFFFFC000  }
0x8e: {  	[hbm4b:s10+s11] =	stream.linear.scatter @!p0 [tilespmem:s8], [sflag:$0x12], $0x4000, $0x38;
	[tilespmem:$0x1B400] =	vst v63  }
0x8f: {  	s28 =	sld [smem:$0x7FC];
	_ =	swait.ge @!p6 [sflag:s9], $0x4000  }
0x90: {  	s10 =	sld [smem:$0x7F7];
	_ =	sdelay $0x1  }
0x91: {  	p1 =	seq.s32 s28, $0x1  }
0x92: {  	p3 =	por p1, p1;
	p1 =	seq.s32 s10, $0x1  }
0x93: {  	p0 =	por p1, p1  }
0x94: {  	s29 =	simm.s32 @!p2 $0xF400;
	s11 =	sadd.s32 $0x1, s30;
	s8 =	simm.s32 @!p0 $0x0  }
0x95: {  	[sflag:s9] =	ssyncset.done @!p6 $0x0;
	s28 =	simm.s32 @!p2 $0x0;
	s8 =	simm.s32 @p0 $0x1  }
0x96: {  	[sflag:s9] =	ssyncadd.s32 @!p6 $0xFFFFC000;
	s9 =	simm.s32 @!p2 $0x0;
	[smem:$0x7FC] =	sst s8  }
0x97: {  	s9 =	simm.s32 @p2 $0x1;
	p1 =	sge.u32 s11, s5;
	s8 =	rddreg [dreg:$0x6]  }
0x98: {  	[smem:$0x7F9] =	sst s9;
	s10 =	simm.s32 @!p1 $0x2;
	s8 =	sadd.s32 @!p2 s2, s8  }
0x99: {  	[tilespmem:s29], [sflag:$0x4] =	stream.linear.gather @!p2 [hbm4b:s8+s28], $0x4000, $0x38;
	[tilespmem:$0x1B400] =	vst v63  }
0x9a: {  	_ =	swait.ge @!p1 [sflag:s10], $0x4000  }
0x9b: {  	s9 =	simm.s32 @!p1 $0x7400;
	[sflag:s10] =	ssyncset.done @!p1 $0x0  }
0x9c: {  	s11 =	simm.s32 @!p1 $0x80;
	s8 =	sadd.s32 @!p1 $0x80, s23;
	[sflag:s10] =	ssyncadd.s32 @!p1 $0xFFFFC000  }
0x9d: {  	[tilespmem:s9], [sflag:$0x8] =	stream.indirect.gather.add.f32 @!p1 [hbm:s1], $0x80, s8, s11, $0xb8;
	[tilespmem:$0x1B400] =	vst v63  }
0x9e: {  	s10 =	simm.s32 @!p4 $0x7;
	s8 =	sadd.s32 $0x4, s30  }
0x9f: {  	_ =	swait.ge @!p4 [sflag:s10], $0x4000;
	p0 =	sge.u32 s8, s5  }
0xa0: {  	[sflag:s10] =	ssyncset.done @!p4 $0x0;
	p6 =	seq.s32 @!p0 s2, $0x0  }
0xa1: {  	s11 =	rddreg [dreg:$0x7];
	[sflag:s10] =	ssyncadd.s32 @!p4 $0xFFFFC000;
	p6 =	por p6, p0  }
0xa2: {  	s8 =	sadd.s32 @!p4 s2, s11;
	s10 =	simm.s32 @!p4 $0x0;
	s11 =	simm.s32 @!p6 $0x11  }
0xa3: {  	[hbm4b:s8+s10] =	stream.linear.scatter @!p4 [tilespmem:s13], [sflag:$0xD], $0x4000, $0x38;
	[tilespmem:$0x1B400] =	vst v63  }
0xa4: {  	s8 =	simm.s32 @!p0 $0x13400;
	_ =	swait.ge @!p6 [sflag:s11], $0x4000  }
0xa5: {  	s13 =	simm.s32 @!p5 $0x3;
	s10 =	rddreg [dreg:$0x8];
	[sflag:s11] =	ssyncset.done @!p6 $0x0  }
0xa6: {  	[sflag:s11] =	ssyncadd.s32 @!p6 $0xFFFFC000;
	s11 =	simm.s32 @!p0 $0x0;
	s10 =	sadd.s32 @!p0 s2, s10  }
0xa7: {  	[tilespmem:s8], [sflag:$0x5] =	stream.linear.gather @!p0 [hbm4b:s10+s11], $0x4000, $0x38;
	[tilespmem:$0x1B400] =	vst v63  }
0xa8: {  	_ =	swait.ge @!p5 [sflag:s13], $0x4000  }
0xa9: {  	s10 =	sadd.s32 @!p5 $0x100, s23;
	[sflag:s13] =	ssyncset.done @!p5 $0x0  }
0xaa: {  	s11 =	simm.s32 @!p5 $0x80;
	[sflag:s13] =	ssyncadd.s32 @!p5 $0xFFFFC000;
	s13 =	simm.s32 @!p1 $0x8  }
0xab: {  	[tilespmem:s14], [sflag:$0x9] =	stream.indirect.gather.add.f32 @!p5 [hbm:s1], $0x80, s10, s11, $0xb8;
	[tilespmem:$0x1B400] =	vst v63  }
0xac: {  	_ =	swait.ge @!p1 [sflag:s13], $0x4000  }
0xad: {  	s10 =	rddreg [dreg:$0x9];
	[sflag:s13] =	ssyncset.done @!p1 $0x0  }
0xae: {  	[sflag:s13] =	ssyncadd.s32 @!p1 $0xFFFFC000;
	s13 =	sld [smem:$0x7FD]  }
0xaf: {  	[smem:$0x7FA] =	sst s0  }
0xb0: {  	s0 =	sld [smem:$0x7F8];
	_ =	sdelay $0x1  }
0xb1: {  	p2 =	por p3, p3;
	p6 =	seq.s32 s13, $0x1  }
0xb2: {  	p4 =	por p6, p3;
	p3 =	seq.s32 s0, $0x1;
	s0 =	sld [smem:$0x7FA]  }
0xb3: {  	_ =	sdelay $0x1  }
0xb4: {  	[smem:$0x7FA] =	sst s0  }
0xb5: {  	s0 =	sld [smem:$0x7F9];
	_ =	sdelay $0x1  }
0xb6: {  	p6 =	por p3, p3  }
0xb7: {  	p3 =	por p2, p2;
	p2 =	seq.s32 s0, $0x1;
	s0 =	sld [smem:$0x7FA]  }
0xb8: {  	_ =	sdelay $0x1  }
0xb9: {  	[smem:$0x7FA] =	sst s0;
	s0 =	simm.s32 @!p6 $0x0  }
0xba: {  	s0 =	simm.s32 @p6 $0x1  }
0xbb: {  	s11 =	simm.s32 @!p1 $0x0;
	[smem:$0x7FD] =	sst s0  }
0xbc: {  	s10 =	sadd.s32 @!p1 s2, s10;
	s13 =	simm.s32 @!p4 $0x12;
	s0 =	sld [smem:$0x7FA]  }
0xbd: {  	[hbm4b:s10+s11] =	stream.linear.scatter @!p1 [tilespmem:s9], [sflag:$0xE], $0x4000, $0x38;
	[tilespmem:$0x1B400] =	vst v63  }
0xbe: {  	s10 =	simm.s32 @!p3 $0x0;
	_ =	swait.ge @!p4 [sflag:s13], $0x4000  }
0xbf: {  	s11 =	simm.s32 @!p2 $0x4;
	s9 =	rddreg [dreg:$0xa];
	[sflag:s13] =	ssyncset.done @!p4 $0x0  }
0xc0: {  	[sflag:s13] =	ssyncadd.s32 @!p4 $0xFFFFC000;
	s9 =	sadd.s32 @!p3 s2, s9;
	s13 =	simm.s32 @!p3 $0x17400  }
0xc1: {  	[tilespmem:s13], [sflag:$0x6] =	stream.linear.gather @!p3 [hbm4b:s9+s10], $0x4000, $0x38;
	[tilespmem:$0x1B400] =	vst v63  }
0xc2: {  	_ =	swait.ge @!p2 [sflag:s11], $0x4000  }
0xc3: {  	s9 =	sadd.s32 @!p2 $0x180, s23;
	[sflag:s11] =	ssyncset.done @!p2 $0x0  }
0xc4: {  	s10 =	simm.s32 @!p2 $0x80;
	[sflag:s11] =	ssyncadd.s32 @!p2 $0xFFFFC000;
	s11 =	simm.s32 @!p5 $0x9  }
0xc5: {  	[tilespmem:s29], [sflag:$0xA] =	stream.indirect.gather.add.f32 @!p2 [hbm:s1], $0x80, s9, s10, $0xb8;
	[tilespmem:$0x1B400] =	vst v63  }
0xc6: {  	_ =	swait.ge @!p5 [sflag:s11], $0x4000  }
0xc7: {  	p1 =	sge.u32 s25, s5;
	[sflag:s11] =	ssyncset.done @!p5 $0x0  }
0xc8: {  	s9 =	sadd.s32 @!p5 s2, s7;
	s10 =	simm.s32 @!p1 $0xD;
	[sflag:s11] =	ssyncadd.s32 @!p5 $0xFFFFC000  }
0xc9: {  	[hbm4b:s9+s0] =	stream.linear.scatter @!p5 [tilespmem:s14], [sflag:$0xF], $0x4000, $0x38;
	[tilespmem:$0x1B400] =	vst v63  }
0xca: {  	s11 =	simm.s32 @!p0 $0x5;
	_ =	swait.ge @!p1 [sflag:s10], $0x4000  }
0xcb: {  	s9 =	simm.s32 @!p1 $0x0;
	s0 =	rddreg [dreg:$0xb];
	[sflag:s10] =	ssyncset.done @!p1 $0x0  }
0xcc: {  	[sflag:s10] =	ssyncadd.s32 @!p1 $0xFFFFC000;
	s10 =	simm.s32 @!p1 $0x3400;
	s0 =	sadd.s32 @!p1 s2, s0  }
0xcd: {  	[tilespmem:s10], [sflag:$0x1] =	stream.linear.gather @!p1 [hbm4b:s0+s9], $0x4000, $0x38;
	[tilespmem:$0x1B400] =	vst v63  }
0xce: {  	_ =	swait.ge @!p0 [sflag:s11], $0x4000  }
0xcf: {  	s31 =	smov.u32 s23;
	s14 =	simm.s32 @!p0 $0x80;
	[sflag:s11] =	ssyncset.done @!p0 $0x0  }
0xd0: {  	s9 =	sadd.s32 @!p0 $0x200, s31;
	s0 =	simm.s32 @!p2 $0xA;
	[sflag:s11] =	ssyncadd.s32 @!p0 $0xFFFFC000  }
0xd1: {  	[tilespmem:s8], [sflag:$0xB] =	stream.indirect.gather.add.f32 @!p0 [hbm:s1], $0x80, s9, s14, $0xb8;
	[tilespmem:$0x1B400] =	vst v63  }
0xd2: {  	_ =	swait.ge @!p2 [sflag:s0], $0x4000  }
0xd3: {  	s10 =	sadd.s32 $0x7, s30;
	s30 =	sld [smem:$0x7FB];
	_ =	sdelay $0x2  }
0xd4: {  	p1 =	seq.s32 s30, $0x1  }
.Ltmp0:
0xd5: {  	_ = 	snop;
	(pc) =	sbr.rel @p1 .LBB2_2-.Ltmp0, $4  }
0xd6: {  	_ = 	snop  }
0xd7: {  	s24 =	smov.u32 s25;
	p6 =	seq.s32 s22, $0x0;
	s23 =	sadd.s32 $0x300, s23  }
0xd8: {  	p4 =	sge.u32 s10, s5;
	s10 =	sadd.s32 $0xFFFFFFFE, s25;
	s25 =	sadd.s32 $0x6, s25  }
0xd9: {  	p5 =	sge.s32 @!p6 s10, s5;
	p0 =	sgt.u32 @!p6 s24, s5;
	s9 =	rddreg [dreg:$0xc]  }
0xda: {  	[sflag:s0] =	ssyncset.done @!p2 $0x0  }
0xdb: {  	[sflag:s0] =	ssyncadd.s32 @!p2 $0xFFFFC000;
	s0 =	sadd.s32 @!p2 s2, s9  }
0xdc: {  	[hbm4b:s0+s28] =	stream.linear.scatter @!p2 [tilespmem:s29], [sflag:$0x10], $0x4000, $0x38;
	[tilespmem:$0x1B400] =	vst v63  }
0xdd: {  	s10 =	sadd.s32 $0x2, s24;
	p1 =	por p5, p6;
	s0 =	simm.s32 @!p4 $0xE  }
0xde: {  	s11 =	simm.s32 @!p4 $0x0;
	p0 =	por p0, p6;
	_ =	swait.ge @!p4 [sflag:s0], $0x4000  }
0xdf: {  	s9 =	simm.s32 @!p3 $0x80;
	p2 =	sge.u32 s10, s5;
	[sflag:s0] =	ssyncset.done @!p4 $0x0  }
0xe0: {  	s10 =	sadd.s32 @!p3 $0x280, s31;
	s8 =	rddreg [dreg:$0xd];
	[sflag:s0] =	ssyncadd.s32 @!p4 $0xFFFFC000  }
0xe1: {  	s0 =	simm.s32 @!p3 $0x6;
	s2 =	sadd.s32 @!p4 s2, s8;
	s8 =	simm.s32 @!p4 $0x7400  }
0xe2: {  	[tilespmem:s8], [sflag:$0x2] =	stream.linear.gather @!p4 [hbm4b:s2+s11], $0x4000, $0x38;
	[tilespmem:$0x1B400] =	vst v63  }
0xe3: {  	s29 =	sadd.s32 $0x3, s24;
	s2 =	sadd.s32 @!p1 s22, s6;
	_ =	swait.ge @!p3 [sflag:s0], $0x4000  }
0xe4: {  	s8 =	simm.s32 @!p1 $0xB;
	s2 =	sadd.s32 @!p1 $0xFFFFF000, s2;
	[sflag:s0] =	ssyncset.done @!p3 $0x0  }
0xe5: {  	s11 =	simm.s32 @!p0 $0xC;
	s2 =	sand.u32 @!p1 $0x1FFFF000, s2;
	[sflag:s0] =	ssyncadd.s32 @!p3 $0xFFFFC000  }
0xe6: {  	[tilespmem:s13], [sflag:$0xC] =	stream.indirect.gather.add.f32 @!p3 [hbm:s1], $0x80, s10, s9, $0xb8;
	[tilespmem:$0x1B400] =	vst v63  }
0xe7: {  	s0 =	sadd.s32 @!p1 s3, s2;
	p3 =	seq.s32 @!p2 s22, $0x0;
	_ =	swait.ge @!p1 [sflag:s8], $0x4000  }
0xe8: {  	s2 =	simm.s32 @!p1 $0x13400;
	p4 =	por p3, p2;
	[sflag:s8] =	ssyncset.done @!p1 $0x0  }
0xe9: {  	s9 =	simm.s32 @!p4 $0xF;
	[sflag:s8] =	ssyncadd.s32 @!p1 $0xFFFFC000;
	s8 =	simm.s32 @!p1 $0x0  }
0xea: {  	[hbm4b:s0+s8] =	stream.linear.scatter @!p1 [tilespmem:s2], [sflag:$0x11], $0x4000, $0x38;
	[tilespmem:$0x1B400] =	vst v63  }
0xeb: {  	s0 =	simm.s32 @!p2 $0x0;
	s2 =	simm.s32 @!p2 $0xB400;
	_ =	swait.ge @!p4 [sflag:s9], $0x4000  }
0xec: {  	p1 =	sge.u32 s24, s5;
	s8 =	rddreg [dreg:$0x5];
	[sflag:s9] =	ssyncset.done @!p4 $0x0  }
0xed: {  	[sflag:s9] =	ssyncadd.s32 @!p4 $0xFFFFC000;
	s8 =	sadd.s32 @!p2 s22, s8;
	s9 =	simm.s32 @!p1 $0x1  }
0xee: {  	[tilespmem:s2], [sflag:$0x3] =	stream.linear.gather @!p2 [hbm4b:s8+s0], $0x4000, $0x38;
	[tilespmem:$0x1B400] =	vst v63  }
0xef: {  	p3 =	sge.u32 s29, s5;
	s10 =	simm.s32 @!p1 $0x3400;
	_ =	swait.ge @!p1 [sflag:s9], $0x4000  }
0xf0: {  	s13 =	simm.s32 @!p1 $0x80;
	s8 =	sadd.s32 @!p0 s22, s6;
	[sflag:s9] =	ssyncset.done @!p1 $0x0  }
0xf1: {  	p4 =	seq.s32 @!p3 s22, $0x0;
	s8 =	sadd.s32 @!p0 $0x1FFFF800, s8;
	[sflag:s9] =	ssyncadd.s32 @!p1 $0xFFFFC000  }
0xf2: {  	[tilespmem:s10], [sflag:$0x7] =	stream.indirect.gather.add.f32 @!p1 [hbm:s1], $0x80, s23, s13, $0xb8;
	[tilespmem:$0x1B400] =	vst v63  }
0xf3: {  	p4 =	por p4, p3;
	s8 =	sand.u32 @!p0 $0x1FFFF800, s8;
	_ =	swait.ge @!p0 [sflag:s11], $0x4000  }
0xf4: {  	s8 =	sadd.s32 @!p0 s3, s8;
	s9 =	simm.s32 @!p0 $0x0;
	[sflag:s11] =	ssyncset.done @!p0 $0x0  }
0xf5: {  	s13 =	simm.s32 @!p0 $0x17400;
	[sflag:s11] =	ssyncadd.s32 @!p0 $0xFFFFC000;
	s11 =	simm.s32 @!p4 $0x10  }
0xf6: {  	[hbm4b:s8+s9] =	stream.linear.scatter @!p0 [tilespmem:s13], [sflag:$0x12], $0x4000, $0x38;
	[tilespmem:$0x1B400] =	vst v63  }
0xf7: {  	_ =	swait.ge @!p4 [sflag:s11], $0x4000  }
0xf8: {  	s30 =	sadd.s32 $0x1, s24;
	s8 =	simm.s32 @!p3 $0x0;
	[sflag:s11] =	ssyncset.done @!p4 $0x0  }
0xf9: {  	s9 =	rddreg [dreg:$0x6];
	[sflag:s11] =	ssyncadd.s32 @!p4 $0xFFFFC000;
	p4 =	sge.u32 s30, s5  }
0xfa: {  	s13 =	simm.s32 @!p3 $0xF400;
	s9 =	sadd.s32 @!p3 s22, s9;
	s11 =	simm.s32 @!p4 $0x2  }
0xfb: {  	[tilespmem:s13], [sflag:$0x4] =	stream.linear.gather @!p3 [hbm4b:s9+s8], $0x4000, $0x38;
	[tilespmem:$0x1B400] =	vst v63  }
0xfc: {  	_ =	swait.ge @!p4 [sflag:s11], $0x4000  }
0xfd: {  	s9 =	simm.s32 @!p4 $0x7400;
	s14 =	sadd.s32 @!p4 $0x80, s23;
	[sflag:s11] =	ssyncset.done @!p4 $0x0  }
0xfe: {  	s26 =	simm.s32 @!p4 $0x80;
	[sflag:s11] =	ssyncadd.s32 @!p4 $0xFFFFC000;
	s11 =	simm.s32 @!p1 $0x7  }
0xff: {  	[tilespmem:s9], [sflag:$0x8] =	stream.indirect.gather.add.f32 @!p4 [hbm:s1], $0x80, s14, s26, $0xb8;
	[tilespmem:$0x1B400] =	vst v63  }
0x100: {  	s31 =	sadd.s32 $0x4, s24;
	_ =	swait.ge @!p1 [sflag:s11], $0x4000  }
0x101: {  	p0 =	sge.u32 s31, s5;
	s14 =	rddreg [dreg:$0x7];
	[sflag:s11] =	ssyncset.done @!p1 $0x0  }
0x102: {  	[sflag:s11] =	ssyncadd.s32 @!p1 $0xFFFFC000;
	s11 =	sadd.s32 @!p1 s22, s14;
	s14 =	simm.s32 @!p1 $0x0  }
0x103: {  	[hbm4b:s11+s14] =	stream.linear.scatter @!p1 [tilespmem:s10], [sflag:$0xD], $0x4000, $0x38;
	[tilespmem:$0x1B400] =	vst v63  }
0x104: {  	p1 =	seq.s32 @!p0 s22, $0x0  }
0x105: {  	p1 =	por p1, p0  }
0x106: {  	s10 =	simm.s32 @!p1 $0x11  }
0x107: {  	s26 =	simm.s32 @!p2 $0x3;
	_ =	swait.ge @!p1 [sflag:s10], $0x4000  }
0x108: {  	s14 =	simm.s32 @!p0 $0x13400;
	s11 =	rddreg [dreg:$0x8];
	[sflag:s10] =	ssyncset.done @!p1 $0x0  }
0x109: {  	[sflag:s10] =	ssyncadd.s32 @!p1 $0xFFFFC000;
	s10 =	simm.s32 @!p0 $0x0;
	s11 =	sadd.s32 @!p0 s22, s11  }
0x10a: {  	[tilespmem:s14], [sflag:$0x5] =	stream.linear.gather @!p0 [hbm4b:s11+s10], $0x4000, $0x38;
	[tilespmem:$0x1B400] =	vst v63  }
0x10b: {  	_ =	swait.ge @!p2 [sflag:s26], $0x4000  }
0x10c: {  	s10 =	sadd.s32 @!p2 $0x100, s23;
	[sflag:s26] =	ssyncset.done @!p2 $0x0  }
0x10d: {  	s11 =	simm.s32 @!p2 $0x80;
	[sflag:s26] =	ssyncadd.s32 @!p2 $0xFFFFC000;
	s26 =	simm.s32 @!p4 $0x8  }
0x10e: {  	[tilespmem:s2], [sflag:$0x9] =	stream.indirect.gather.add.f32 @!p2 [hbm:s1], $0x80, s10, s11, $0xb8;
	[tilespmem:$0x1B400] =	vst v63  }
0x10f: {  	_ =	swait.ge @!p4 [sflag:s26], $0x4000  }
0x110: {  	s10 =	rddreg [dreg:$0x9]  }
0x111: {  	s11 =	simm.s32 @!p4 $0x0;
	[sflag:s26] =	ssyncset.done @!p4 $0x0;
	s28 =	sld [smem:$0x7FC]  }
0x112: {  	s29 =	sld [smem:$0x7FD];
	[sflag:s26] =	ssyncadd.s32 @!p4 $0xFFFFC000;
	s10 =	sadd.s32 @!p4 s22, s10  }
0x113: {  	[hbm4b:s10+s11] =	stream.linear.scatter @!p4 [tilespmem:s9], [sflag:$0xE], $0x4000, $0x38;
	[tilespmem:$0x1B400] =	vst v63  }
0x114: {  	p5 =	seq.s32 s28, $0x1  }
0x115: {  	p6 =	seq.s32 s29, $0x1;
	p1 =	por p5, p5  }
0x116: {  	p4 =	por p6, p1  }
0x117: {  	s9 =	simm.s32 @!p4 $0x12  }
0x118: {  	s26 =	simm.s32 @!p3 $0x4;
	_ =	swait.ge @!p4 [sflag:s9], $0x4000  }
0x119: {  	s11 =	simm.s32 @!p1 $0x17400;
	s10 =	rddreg [dreg:$0xa];
	[sflag:s9] =	ssyncset.done @!p4 $0x0  }
0x11a: {  	[sflag:s9] =	ssyncadd.s32 @!p4 $0xFFFFC000;
	s9 =	simm.s32 @!p1 $0x0;
	s10 =	sadd.s32 @!p1 s22, s10  }
0x11b: {  	[tilespmem:s11], [sflag:$0x6] =	stream.linear.gather @!p1 [hbm4b:s10+s9], $0x4000, $0x38;
	[tilespmem:$0x1B400] =	vst v63  }
0x11c: {  	_ =	swait.ge @!p3 [sflag:s26], $0x4000  }
0x11d: {  	s9 =	sadd.s32 @!p3 $0x180, s23;
	[sflag:s26] =	ssyncset.done @!p3 $0x0  }
0x11e: {  	s10 =	simm.s32 @!p3 $0x80;
	[sflag:s26] =	ssyncadd.s32 @!p3 $0xFFFFC000;
	s26 =	simm.s32 @!p2 $0x9  }
0x11f: {  	[tilespmem:s13], [sflag:$0xA] =	stream.indirect.gather.add.f32 @!p3 [hbm:s1], $0x80, s9, s10, $0xb8;
	[tilespmem:$0x1B400] =	vst v63  }
0x120: {  	_ =	swait.ge @!p2 [sflag:s26], $0x4000  }
0x121: {  	[sflag:s26] =	ssyncset.done @!p2 $0x0  }
0x122: {  	s9 =	sadd.s32 @!p2 s22, s7;
	[sflag:s26] =	ssyncadd.s32 @!p2 $0xFFFFC000  }
0x123: {  	[hbm4b:s9+s0] =	stream.linear.scatter @!p2 [tilespmem:s2], [sflag:$0xF], $0x4000, $0x38;
	[tilespmem:$0x1B400] =	vst v63  }
0x124: {  	p2 =	sge.u32 s25, s5  }
0x125: {  	s0 =	simm.s32 @!p2 $0xD  }
0x126: {  	_ =	swait.ge @!p2 [sflag:s0], $0x4000  }
0x127: {  	s9 =	simm.s32 @!p2 $0x3400;
	s2 =	rddreg [dreg:$0xb];
	[sflag:s0] =	ssyncset.done @!p2 $0x0  }
0x128: {  	[sflag:s0] =	ssyncadd.s32 @!p2 $0xFFFFC000;
	s0 =	simm.s32 @!p2 $0x0;
	s2 =	sadd.s32 @!p2 s22, s2  }
0x129: {  	[tilespmem:s9], [sflag:$0x1] =	stream.linear.gather @!p2 [hbm4b:s2+s0], $0x4000, $0x38;
	[tilespmem:$0x1B400] =	vst v63  }
0x12a: {  	s0 =	simm.s32 @!p0 $0x5  }
0x12b: {  	_ =	swait.ge @!p0 [sflag:s0], $0x4000  }
0x12c: {  	s2 =	simm.s32 @!p0 $0x80;
	[sflag:s0] =	ssyncset.done @!p0 $0x0  }
0x12d: {  	s9 =	sadd.s32 @!p0 $0x200, s23;
	[sflag:s0] =	ssyncadd.s32 @!p0 $0xFFFFC000;
	s0 =	simm.s32 @!p3 $0xA  }
0x12e: {  	[tilespmem:s14], [sflag:$0xB] =	stream.indirect.gather.add.f32 @!p0 [hbm:s1], $0x80, s9, s2, $0xb8;
	[tilespmem:$0x1B400] =	vst v63  }
0x12f: {  	_ =	swait.ge @!p3 [sflag:s0], $0x4000  }
0x130: {  	s30 =	sadd.s32 $0x7, s24;
	s2 =	rddreg [dreg:$0xc];
	[sflag:s0] =	ssyncset.done @!p3 $0x0  }
0x131: {  	p0 =	sge.u32 s30, s5;
	[sflag:s0] =	ssyncadd.s32 @!p3 $0xFFFFC000;
	s0 =	sadd.s32 @!p3 s22, s2  }
0x132: {  	[hbm4b:s0+s8] =	stream.linear.scatter @!p3 [tilespmem:s13], [sflag:$0x10], $0x4000, $0x38;
	[tilespmem:$0x1B400] =	vst v63  }
0x133: {  	s0 =	simm.s32 @!p0 $0xE  }
0x134: {  	_ =	swait.ge @!p0 [sflag:s0], $0x4000  }
0x135: {  	s8 =	simm.s32 @!p0 $0x0;
	s2 =	rddreg [dreg:$0xd];
	[sflag:s0] =	ssyncset.done @!p0 $0x0  }
0x136: {  	[sflag:s0] =	ssyncadd.s32 @!p0 $0xFFFFC000;
	s0 =	sadd.s32 @!p0 s22, s2;
	s2 =	simm.s32 @!p0 $0x7400  }
0x137: {  	[tilespmem:s2], [sflag:$0x2] =	stream.linear.gather @!p0 [hbm4b:s0+s8], $0x4000, $0x38;
	[tilespmem:$0x1B400] =	vst v63  }
0x138: {  	s0 =	simm.s32 @!p1 $0x6  }
0x139: {  	_ =	swait.ge @!p1 [sflag:s0], $0x4000  }
0x13a: {  	[sflag:s0] =	ssyncset.done @!p1 $0x0  }
0x13b: {  	s2 =	simm.s32 @!p1 $0x80;
	s8 =	sadd.s32 @!p1 $0x280, s23;
	[sflag:s0] =	ssyncadd.s32 @!p1 $0xFFFFC000  }
0x13c: {  	[tilespmem:s11], [sflag:$0xC] =	stream.indirect.gather.add.f32 @!p1 [hbm:s1], $0x80, s8, s2, $0xb8;
	[tilespmem:$0x1B400] =	vst v63  }
0x13d: {  	_ =	swait.ge [sflag:s15], $0x4000  }
0x13e: {  	[sflag:s15] =	ssyncset.done $0x0  }
0x13f: {  	[sflag:s15] =	ssyncadd.s32 $0xFFFFC000  }
0x140: {  	_ =	swait.ge [sflag:s16], $0x4000  }
0x141: {  	[sflag:s16] =	ssyncset.done $0x0  }
0x142: {  	[sflag:s16] =	ssyncadd.s32 $0xFFFFC000  }
0x143: {  	_ =	swait.ge [sflag:s17], $0x4000  }
0x144: {  	[sflag:s17] =	ssyncset.done $0x0  }
0x145: {  	[sflag:s17] =	ssyncadd.s32 $0xFFFFC000  }
0x146: {  	_ =	swait.ge [sflag:s18], $0x4000  }
0x147: {  	[sflag:s18] =	ssyncset.done $0x0  }
0x148: {  	[sflag:s18] =	ssyncadd.s32 $0xFFFFC000  }
0x149: {  	_ =	swait.ge [sflag:s19], $0x4000  }
0x14a: {  	[sflag:s19] =	ssyncset.done $0x0  }
0x14b: {  	[sflag:s19] =	ssyncadd.s32 $0xFFFFC000  }
0x14c: {  	_ =	swait.ge [sflag:s20], $0x4000  }
0x14d: {  	s21 =	sadd.s32 $0x1, s21;
	s31 =	rddreg [dreg:$0x11]  }
0x14e: {  	p0 =	sne.s32 s21, s31  }
.Ltmp1:
0x14f: {  	_ = 	snop;
	(pc) =	sbr.rel @p0 .LBB2_1-.Ltmp1, $3  }
0x150: {  	_ =	sdelay $0x1  }
0x151: {  	[sflag:s20] =	ssyncset.done $0x0  }
0x152: {  	[sflag:s20] =	ssyncadd.s32 $0xFFFFC000  }
0x153: {  	_ =	sfence.sel $0x180000  }
0x154: {  	[bflag:$0x0] =	sbarrier.arrive $0xFFFF  }
0x155: {  	_ =	strace $0x90000047  }
0x156: {  	s0 =	stileid.u32;
	[bflag:$0x2] =	sbarrier.arrive $0xFFFF  }
0x157: {  	p0 =	sne.s32 s0, $0x0;
	s0 =	rddreg [dreg:$0x4]  }
0x158: {  	s0 =	sadd.s32 @!p0 $0x100000, s0  }
0x159: {  	[sflag:s0] =	ssyncadd.tile.s32 @!p0 $0x1;
	_ =	shalt  }
.Lfunc_end2:
_tile_overlayer_lowered:
.L_overlay_start_2:
0x15a: {  	(tag) =	ssettag $0x2  }
0x15b: {  	s0 =	rddreg [dreg:$0x0];
	s2 =	stileid.u32  }
0x15c: {  	s1 =	rddreg [dreg:$0x1];
	p0 =	sne.s32 s2, $0x0  }
0x15d: {  	s3 =	rddreg [dreg:$0x2];
	[bflag:$0x3] =	sbarrier.arrive $0xFFFF;
	s2 =	simm.s32 @!p0 $0x1C13  }
0x15e: {  	[timem:s3], [sflag:s2] =	dma.local @!p0 [hbm:s0], s1  }
0x15f: {  	s0 =	simm.s32 @!p0 $0x13  }
0x160: {  	_ =	swait.ge @!p0 [sflag:s0], s1  }
0x161: {  	s1 =	ssub.s32 @!p0 $0x0, s1;
	[sflag:s0] =	ssyncset.done @!p0 $0x0  }
0x162: {  	[sflag:s0] =	ssyncadd.s32 @!p0 s1  }
0x163: {  	[bflag:$0x3] =	sbarrier.arrive $0xFFFF  }
0x164: {  	_ =	shalt  }

</sc_bundles>
